<compile_context>
chip_gen: v7x
topology: tpu7x:2x2x1
jax: 0.10.2.dev20260603
libtpu: 0.0.44.dev20260713+nightly
codegen_flags: <defaults>
</compile_context>

<pallas_src>
import functools

import jax
import jax.numpy as jnp
from jax import lax
from jax.experimental import pallas as pl
from jax.experimental.pallas import tpu as pltpu
from jax.experimental.pallas import tpu_sc as plsc

_B = 256
_H = 256
_W = 256
_PIX = _H * _W
_NBINS = 256

_NC = 2
_NS = 16
_NW = _NC * _NS
_PPW = _B // _NW
_CROWS = 64
_CHUNKS_PER_PATCH = _H // _CROWS
_NCHUNK = _PPW * _CHUNKS_PER_PATCH
_L = 16


def _hist_body(p_hbm, out_hbm, buf, bank, sem0, sem1):
    wid = lax.axis_index("s") * _NC + lax.axis_index("c")
    ones = jnp.ones((_L,), jnp.float32)
    zeros16 = jnp.zeros((_L,), jnp.float32)
    patch0 = wid * _PPW

    def chunk_src(g):
        return p_hbm.at[patch0 + g // _CHUNKS_PER_PATCH, 0,
                        pl.ds((g % _CHUNKS_PER_PATCH) * _CROWS, _CROWS)]

    def start(g, slot):
        pltpu.make_async_copy(chunk_src(g), buf.at[slot],
                              sem0 if slot == 0 else sem1).start()

    def wait(g, slot):
        pltpu.make_async_copy(chunk_src(g), buf.at[slot],
                              sem0 if slot == 0 else sem1).wait()

    def process(slot):
        def row_body(r, c):
            xs = [buf[slot, 2 * r + rr, pl.ds(u * _L, _L)]
                  for rr in range(2) for u in range(_W // _L)]
            qs = [(x * 255.0).astype(jnp.int32) for x in xs]
            for q in qs:
                plsc.addupdate_scatter(bank, [q], ones)
            return c

        lax.fori_loop(0, _CROWS // 2, row_body, 0)

    def zero_bank():
        def zb(i, c):
            bank[pl.ds(i * _L, _L)] = zeros16
            return c

        lax.fori_loop(0, _NBINS // _L, zb, 0)

    def finalize(patch):
        pltpu.sync_copy(bank, out_hbm.at[patch])
        zero_bank()

    zero_bank()
    start(0, 0)

    def pair_body(j, c):
        g0 = 2 * j
        g1 = g0 + 1
        start(g1, 1)
        wait(g0, 0)
        process(0)

        @pl.when(g0 + 2 < _NCHUNK)
        def _():
            start(g0 + 2, 0)

        wait(g1, 1)
        process(1)

        @pl.when(g1 % _CHUNKS_PER_PATCH == _CHUNKS_PER_PATCH - 1)
        def _():
            finalize(patch0 + g1 // _CHUNKS_PER_PATCH)

        return c

    lax.fori_loop(0, _NCHUNK // 2, pair_body, 0)


@functools.lru_cache(maxsize=None)
def _make_hist_call():
    mesh = plsc.VectorSubcoreMesh(core_axis_name="c", subcore_axis_name="s",
                                  num_cores=_NC, num_subcores=_NS)
    return functools.partial(
        pl.kernel,
        out_type=jax.ShapeDtypeStruct((_B, _NBINS), jnp.float32),
        mesh=mesh,
        compiler_params=pltpu.CompilerParams(needs_layout_passes=False),
        scratch_types=[
            pltpu.VMEM((2, _CROWS, _W), jnp.float32),
            pltpu.VMEM((_NBINS,), jnp.float32),
            pltpu.SemaphoreType.DMA,
            pltpu.SemaphoreType.DMA,
        ],
    )(_hist_body)


def _cues_body(x_ref, var_ref, edge_ref):
    for p in range(_PPS):
        _cues_one(x_ref[p, 0], p, var_ref, edge_ref)


def _cues_one(x, p, var_ref, edge_ref):
    n = _PIX
    s1 = jnp.sum(x)
    s2 = jnp.sum(x * x)
    var = (s2 - s1 * s1 * (1.0 / n)) * (1.0 / (n - 1))

    zrow = jnp.zeros((1, _W), x.dtype)
    zcol = jnp.zeros((_H, 1), x.dtype)
    up = jnp.concatenate([x[1:, :], zrow], axis=0)
    dn = jnp.concatenate([zrow, x[:-1, :]], axis=0)
    v = dn + 2.0 * x + up
    g = up - dn
    sx = (jnp.concatenate([v[:, 1:], zcol], axis=1)
          - jnp.concatenate([zcol, v[:, :-1]], axis=1))
    gl = jnp.concatenate([g[:, 1:], zcol], axis=1)
    gr = jnp.concatenate([zcol, g[:, :-1]], axis=1)
    sy = gl + 2.0 * g + gr
    edge = jnp.maximum(jnp.max(jnp.abs(sx)), jnp.max(jnp.abs(sy)))

    var_ref[p, 0, :] = jnp.full((128,), var, x.dtype)
    edge_ref[p, 0, :] = jnp.full((128,), edge, x.dtype)


_PPS = 8

_cues_call = pl.pallas_call(
    _cues_body,
    grid=(_B // _PPS,),
    in_specs=[pl.BlockSpec((_PPS, 1, _H, _W), lambda i: (i, 0, 0, 0))],
    out_specs=[pl.BlockSpec((_PPS, 1, 128), lambda i: (i, 0, 0)),
               pl.BlockSpec((_PPS, 1, 128), lambda i: (i, 0, 0))],
    out_shape=[jax.ShapeDtypeStruct((_B, 1, 128), jnp.float32),
               jax.ShapeDtypeStruct((_B, 1, 128), jnp.float32)],
)


def _entropy_body(h_ref, out_ref):
    hist = h_ref[...]
    p = hist * (1.0 / _PIX)
    plog = p * jnp.log2(jnp.maximum(p, 1e-8))
    ent = -jnp.sum(plog, axis=1)
    out_ref[...] = jnp.broadcast_to(ent[:, None], (_B, 128))


_entropy_call = pl.pallas_call(
    _entropy_body,
    out_shape=jax.ShapeDtypeStruct((_B, 128), jnp.float32),
)


def kernel(patches):
    hist = _make_hist_call()(patches)
    var, edge = _cues_call(patches)
    ent = _entropy_call(hist)
    mahalanobis = jnp.zeros((_B,), patches.dtype)
    return (var[:, 0, 0], ent[:, 0], edge[:, 0, 0], mahalanobis)

# --- scband reference (transcript-rebuilt; emitter-appended) ---
"""Pipeline reference for scband-multi-cue-coarse-gate-14998025798251 (READ-ONLY COPY).

The authoritative reference and input builder live on the scoring server;
editing this copy changes nothing except your own understanding.
"""

import jax, jax.numpy as jnp
import numpy as np


def setup_inputs(seed: int = 0) -> dict:
    key = jax.random.key(seed)
    patches = jax.random.uniform(key, (256, 1, 256, 256), dtype=jnp.float32)
    return {"patches": patches}


def reference(patches):
    B = patches.shape[0]
    # cue 1: variance (torch.var default is unbiased, ddof=1)
    variance = jnp.var(patches.reshape(B, -1), axis=1, ddof=1)
    # cue 2: entropy via 256-bin histogram (scatter-add)
    patch_u8 = (jnp.clip(patches[:, 0], 0.0, 1.0) * 255.0).astype(jnp.int32)
    idx = patch_u8.reshape(B, -1)
    rows = jnp.broadcast_to(jnp.arange(B)[:, None], idx.shape)
    hist = jnp.zeros((B, 256), dtype=patches.dtype).at[rows, idx].add(1.0)
    prob = hist / jnp.maximum(jnp.sum(hist, axis=1, keepdims=True), 1e-08)
    entropy = -jnp.sum(prob * jnp.log2(jnp.maximum(prob, 1e-08)), axis=1)
    # cue 3: max Sobel edge response
    sobel_x = jnp.array([[-1.0, 0.0, 1.0], [-2.0, 0.0, 2.0], [-1.0, 0.0, 1.0]], dtype=jnp.float32).reshape(1, 1, 3, 3)
    sobel_y = jnp.array([[-1.0, -2.0, -1.0], [0.0, 0.0, 0.0], [1.0, 2.0, 1.0]], dtype=jnp.float32).reshape(1, 1, 3, 3)
    dn = ('NCHW', 'OIHW', 'NCHW')
    sx = jax.lax.conv_general_dilated(patches, sobel_x, window_strides=(1, 1), padding=((1, 1), (1, 1)), dimension_numbers=dn)
    sy = jax.lax.conv_general_dilated(patches, sobel_y, window_strides=(1, 1), padding=((1, 1), (1, 1)), dimension_numbers=dn)
    edge_max = jnp.maximum(
        jnp.max(jnp.abs(sx).reshape(B, -1), axis=1),
        jnp.max(jnp.abs(sy).reshape(B, -1), axis=1),
    )
    # cue 4: mahalanobis placeholder (zeros, as in original when no reference stats)
    mahalanobis = jnp.zeros((B,), dtype=patches.dtype)
    return (variance, entropy, edge_max, mahalanobis)

if __name__ == "__main__":
    import jax
    _d = setup_inputs()
    print(jax.jit(kernel)(*tuple(_d.values())))

</pallas_src>

<mosaic_0001>
#map = affine_map<(d0, d1) -> (0, 0, 0, 0)>
#map1 = affine_map<(d0, d1) -> (0, 0)>
module attributes {stable_mosaic.version = 14 : i64} {
  func.func @_hist_body(%arg0: i32, %arg1: i32, %arg2: memref<256x1x256x256xf32, #tpu.memory_space<hbm>>, %arg3: memref<256x256xf32, #tpu.memory_space<hbm>>, %arg4: memref<2x64x256xf32, #tpu.memory_space<vmem>>, %arg5: memref<256xf32, #tpu.memory_space<vmem>>, %arg6: memref<!tpu.dma_semaphore, #tpu.memory_space<semaphore_mem>>, %arg7: memref<!tpu.dma_semaphore, #tpu.memory_space<semaphore_mem>>) attributes {dimension_semantics = [#tpu.dimension_semantics<core_parallel>, #tpu.dimension_semantics<subcore_parallel>], iteration_bounds = array<i64: 2, 16>, scalar_prefetch = 0 : i64, scratch_operands = 4 : i64, tpu.core_type = #tpu.core_type<sc_vector_subcore>, window_params = [{transform_indices = #map}, {transform_indices = #map1}]} {
    %mul3A = arith.constant 2 : i32
    %mul3A_0 = arith.muli %arg1, %mul3A : i32
    %add3A = arith.addi %mul3A_0, %arg0 : i32
    %broadcast_in_dim3A = arith.constant 1.000000e+00 : f32
    %broadcast_in_dim3A_1 = vector.broadcast %broadcast_in_dim3A : f32 to vector<16xf32>
    %broadcast_in_dim3A_2 = arith.constant 0.000000e+00 : f32
    %broadcast_in_dim3A_3 = vector.broadcast %broadcast_in_dim3A_2 : f32 to vector<16xf32>
    %mul3A_4 = arith.constant 8 : i32
    %mul3A_5 = arith.muli %add3A, %mul3A_4 : i32
    %scan3A = arith.constant 0 : i32
    %scan3A_6 = arith.constant 0 : i32
    %scan3A_7 = arith.constant 16 : i32
    %scan3A_8 = arith.addi %scan3A_6, %scan3A_7 : i32
    %scan3A_9 = arith.constant 1 : i32
    scf.for %scan3A_36 = %scan3A_6 to %scan3A_8 step %scan3A_9  : i32 {
      %mul3A_37 = arith.constant 16 : i32
      %mul3A_38 = arith.muli %scan3A_36, %mul3A_37 : i32
      %swap3A = arith.index_cast %mul3A_38 : i32 to index
      %swap3A_39 = tpu.vector_load %arg5[%swap3A] {strides = array<i32>} : memref<256xf32, #tpu.memory_space<vmem>>, vector<16xf32>,
      tpu.vector_store %arg5[%swap3A], %broadcast_in_dim3A_3 {strides = array<i32>} : memref<256xf32, #tpu.memory_space<vmem>>, vector<16xf32>,
    }
    %scan3A_10 = arith.constant 16 : i32
    %add3A_11 = arith.constant 0 : i32
    %add3A_12 = arith.addi %mul3A_5, %add3A_11 : i32
    %dma_start3A = arith.constant 0 : i32
    %dma_start3A_13 = arith.constant 0 : i32
    %dma_start3A_14 = arith.constant 0 : i32
    %dma_start3A_15 = arith.constant 0 : i32
    %dma_start3A_16 = tpu.memref_slice %arg4[%dma_start3A_13, %dma_start3A_14, %dma_start3A_15] : memref<2x64x256xf32, #tpu.memory_space<vmem>> -> memref<1x64x256xf32, #tpu.memory_space<vmem>>
    %dma_start3A_17 = tpu.memref_squeeze %dma_start3A_16 : memref<1x64x256xf32, #tpu.memory_space<vmem>> -> memref<64x256xf32, #tpu.memory_space<vmem>>
    %dma_start3A_18 = arith.constant 0 : i32
    %dma_start3A_19 = arith.constant 0 : i32
    %dma_start3A_20 = tpu.memref_slice %arg2[%add3A_12, %dma_start3A, %dma_start3A_18, %dma_start3A_19] : memref<256x1x256x256xf32, #tpu.memory_space<hbm>> -> memref<1x1x64x256xf32, #tpu.memory_space<hbm>>
    %dma_start3A_21 = tpu.memref_squeeze %dma_start3A_20 : memref<1x1x64x256xf32, #tpu.memory_space<hbm>> -> memref<64x256xf32, #tpu.memory_space<hbm>>
    %dma_start3A_22 = arith.constant 0 : i32
    %dma_start3A_23 = arith.constant 0 : i32
    %dma_start3A_24 = tpu.memref_slice %arg4[%dma_start3A_13, %dma_start3A_22, %dma_start3A_23] : memref<2x64x256xf32, #tpu.memory_space<vmem>> -> memref<1x64x256xf32, #tpu.memory_space<vmem>>
    %dma_start3A_25 = tpu.memref_squeeze %dma_start3A_24 : memref<1x64x256xf32, #tpu.memory_space<vmem>> -> memref<64x256xf32, #tpu.memory_space<vmem>>
    %dma_start3A_26 = arith.constant 0 : i32
    %dma_start3A_27 = arith.constant 0 : i32
    %dma_start3A_28 = tpu.memref_slice %arg2[%add3A_12, %dma_start3A, %dma_start3A_26, %dma_start3A_27] : memref<256x1x256x256xf32, #tpu.memory_space<hbm>> -> memref<1x1x64x256xf32, #tpu.memory_space<hbm>>
    %dma_start3A_29 = tpu.memref_squeeze %dma_start3A_28 : memref<1x1x64x256xf32, #tpu.memory_space<hbm>> -> memref<64x256xf32, #tpu.memory_space<hbm>>
    tpu.enqueue_dma source(%dma_start3A_29 : memref<64x256xf32, #tpu.memory_space<hbm>>) target(%dma_start3A_25 : memref<64x256xf32, #tpu.memory_space<vmem>>) target_semaphore(%arg6 : memref<!tpu.dma_semaphore, #tpu.memory_space<semaphore_mem>>)
    %scan3A_30 = arith.constant 0 : i32
    %scan3A_31 = arith.constant 0 : i32
    %scan3A_32 = arith.constant 16 : i32
    %scan3A_33 = arith.addi %scan3A_31, %scan3A_32 : i32
    %scan3A_34 = arith.constant 1 : i32
    scf.for %scan3A_36 = %scan3A_31 to %scan3A_33 step %scan3A_34  : i32 {
      %mul3A_37 = arith.constant 2 : i32
      %mul3A_38 = arith.muli %mul3A_37, %scan3A_36 : i32
      %add3A_39 = arith.constant 1 : i32
      %add3A_40 = arith.addi %mul3A_38, %add3A_39 : i32
      %jit3A = arith.constant 4 : i32
      %div3A = arith.divsi %add3A_40, %jit3A : i32
      %sign3A = arith.constant 0 : i32
      %sign3A_41 = arith.cmpi sgt, %add3A_40, %sign3A : i32
      %sign3A_42 = arith.extui %sign3A_41 : i1 to i32
      %sign3A_43 = arith.constant 0 : i32
      %sign3A_44 = arith.cmpi slt, %add3A_40, %sign3A_43 : i32
      %sign3A_45 = arith.extui %sign3A_44 : i1 to i32
      %sign3A_46 = arith.subi %sign3A_42, %sign3A_45 : i32
      %sign3A_47 = arith.constant 0 : i32
      %sign3A_48 = arith.cmpi sgt, %jit3A, %sign3A_47 : i32
      %sign3A_49 = arith.extui %sign3A_48 : i1 to i32
      %sign3A_50 = arith.constant 0 : i32
      %sign3A_51 = arith.cmpi slt, %jit3A, %sign3A_50 : i32
      %sign3A_52 = arith.extui %sign3A_51 : i1 to i32
      %sign3A_53 = arith.subi %sign3A_49, %sign3A_52 : i32
      %ne3A = arith.cmpi ne, %sign3A_46, %sign3A_53 : i32
      %rem3A = arith.remsi %add3A_40, %jit3A : i32
      %ne3A_54 = arith.constant 0 : i32
      %ne3A_55 = arith.cmpi ne, %rem3A, %ne3A_54 : i32
      %and3A = arith.andi %ne3A, %ne3A_55 : i1
      %sub3A = arith.constant 1 : i32
      %sub3A_56 = arith.subi %div3A, %sub3A : i32
      %select_n3A = arith.select %and3A, %sub3A_56, %div3A : i32
      %add3A_57 = arith.addi %mul3A_5, %select_n3A : i32
      %jit3A_58 = arith.constant 4 : i32
      %eq3A = arith.constant 0 : i32
      %eq3A_59 = arith.cmpi eq, %jit3A_58, %eq3A : i32
      %jit3A_60 = arith.constant 1 : i32
      %select_n3A_61 = arith.select %eq3A_59, %jit3A_60, %jit3A_58 : i32
      %rem3A_62 = arith.remsi %add3A_40, %select_n3A_61 : i32
      %ne3A_63 = arith.constant 0 : i32
      %ne3A_64 = arith.cmpi ne, %rem3A_62, %ne3A_63 : i32
      %lt3A = arith.constant 0 : i32
      %lt3A_65 = arith.cmpi slt, %rem3A_62, %lt3A : i32
      %lt3A_66 = arith.constant 0 : i32
      %lt3A_67 = arith.cmpi slt, %select_n3A_61, %lt3A_66 : i32
      %ne3A_68 = arith.xori %lt3A_65, %lt3A_67 : i1
      %and3A_69 = arith.andi %ne3A_68, %ne3A_64 : i1
      %add3A_70 = arith.addi %rem3A_62, %select_n3A_61 : i32
      %select_n3A_71 = arith.select %and3A_69, %add3A_70, %rem3A_62 : i32
      %mul3A_72 = arith.constant 64 : i32
      %mul3A_73 = arith.muli %select_n3A_71, %mul3A_72 : i32
      %dma_start3A_74 = arith.constant 0 : i32
      %dma_start3A_75 = arith.constant 1 : i32
      %dma_start3A_76 = arith.constant 0 : i32
      %dma_start3A_77 = arith.constant 0 : i32
      %dma_start3A_78 = tpu.memref_slice %arg4[%dma_start3A_75, %dma_start3A_76, %dma_start3A_77] : memref<2x64x256xf32, #tpu.memory_space<vmem>> -> memref<1x64x256xf32, #tpu.memory_space<vmem>>
      %dma_start3A_79 = tpu.memref_squeeze %dma_start3A_78 : memref<1x64x256xf32, #tpu.memory_space<vmem>> -> memref<64x256xf32, #tpu.memory_space<vmem>>
      %dma_start3A_80 = arith.constant 0 : i32
      %dma_start3A_81 = tpu.memref_slice %arg2[%add3A_57, %dma_start3A_74, %mul3A_73, %dma_start3A_80] : memref<256x1x256x256xf32, #tpu.memory_space<hbm>> -> memref<1x1x64x256xf32, #tpu.memory_space<hbm>>
      %dma_start3A_82 = tpu.memref_squeeze %dma_start3A_81 : memref<1x1x64x256xf32, #tpu.memory_space<hbm>> -> memref<64x256xf32, #tpu.memory_space<hbm>>
      %dma_start3A_83 = arith.constant 0 : i32
      %dma_start3A_84 = arith.constant 0 : i32
      %dma_start3A_85 = tpu.memref_slice %arg4[%dma_start3A_75, %dma_start3A_83, %dma_start3A_84] : memref<2x64x256xf32, #tpu.memory_space<vmem>> -> memref<1x64x256xf32, #tpu.memory_space<vmem>>
      %dma_start3A_86 = tpu.memref_squeeze %dma_start3A_85 : memref<1x64x256xf32, #tpu.memory_space<vmem>> -> memref<64x256xf32, #tpu.memory_space<vmem>>
      %dma_start3A_87 = arith.constant 0 : i32
      %dma_start3A_88 = tpu.memref_slice %arg2[%add3A_57, %dma_start3A_74, %mul3A_73, %dma_start3A_87] : memref<256x1x256x256xf32, #tpu.memory_space<hbm>> -> memref<1x1x64x256xf32, #tpu.memory_space<hbm>>
      %dma_start3A_89 = tpu.memref_squeeze %dma_start3A_88 : memref<1x1x64x256xf32, #tpu.memory_space<hbm>> -> memref<64x256xf32, #tpu.memory_space<hbm>>
      tpu.enqueue_dma source(%dma_start3A_89 : memref<64x256xf32, #tpu.memory_space<hbm>>) target(%dma_start3A_86 : memref<64x256xf32, #tpu.memory_space<vmem>>) target_semaphore(%arg7 : memref<!tpu.dma_semaphore, #tpu.memory_space<semaphore_mem>>)
      %jit3A_90 = arith.constant 4 : i32
      %div3A_91 = arith.divsi %mul3A_38, %jit3A_90 : i32
      %sign3A_92 = arith.constant 0 : i32
      %sign3A_93 = arith.cmpi sgt, %mul3A_38, %sign3A_92 : i32
      %sign3A_94 = arith.extui %sign3A_93 : i1 to i32
      %sign3A_95 = arith.constant 0 : i32
      %sign3A_96 = arith.cmpi slt, %mul3A_38, %sign3A_95 : i32
      %sign3A_97 = arith.extui %sign3A_96 : i1 to i32
      %sign3A_98 = arith.subi %sign3A_94, %sign3A_97 : i32
      %sign3A_99 = arith.constant 0 : i32
      %sign3A_100 = arith.cmpi sgt, %jit3A_90, %sign3A_99 : i32
      %sign3A_101 = arith.extui %sign3A_100 : i1 to i32
      %sign3A_102 = arith.constant 0 : i32
      %sign3A_103 = arith.cmpi slt, %jit3A_90, %sign3A_102 : i32
      %sign3A_104 = arith.extui %sign3A_103 : i1 to i32
      %sign3A_105 = arith.subi %sign3A_101, %sign3A_104 : i32
      %ne3A_106 = arith.cmpi ne, %sign3A_98, %sign3A_105 : i32
      %rem3A_107 = arith.remsi %mul3A_38, %jit3A_90 : i32
      %ne3A_108 = arith.constant 0 : i32
      %ne3A_109 = arith.cmpi ne, %rem3A_107, %ne3A_108 : i32
      %and3A_110 = arith.andi %ne3A_106, %ne3A_109 : i1
      %sub3A_111 = arith.constant 1 : i32
      %sub3A_112 = arith.subi %div3A_91, %sub3A_111 : i32
      %select_n3A_113 = arith.select %and3A_110, %sub3A_112, %div3A_91 : i32
      %add3A_114 = arith.addi %mul3A_5, %select_n3A_113 : i32
      %jit3A_115 = arith.constant 4 : i32
      %eq3A_116 = arith.constant 0 : i32
      %eq3A_117 = arith.cmpi eq, %jit3A_115, %eq3A_116 : i32
      %jit3A_118 = arith.constant 1 : i32
      %select_n3A_119 = arith.select %eq3A_117, %jit3A_118, %jit3A_115 : i32
      %rem3A_120 = arith.remsi %mul3A_38, %select_n3A_119 : i32
      %ne3A_121 = arith.constant 0 : i32
      %ne3A_122 = arith.cmpi ne, %rem3A_120, %ne3A_121 : i32
      %lt3A_123 = arith.constant 0 : i32
      %lt3A_124 = arith.cmpi slt, %rem3A_120, %lt3A_123 : i32
      %lt3A_125 = arith.constant 0 : i32
      %lt3A_126 = arith.cmpi slt, %select_n3A_119, %lt3A_125 : i32
      %ne3A_127 = arith.xori %lt3A_124, %lt3A_126 : i1
      %and3A_128 = arith.andi %ne3A_127, %ne3A_122 : i1
      %add3A_129 = arith.addi %rem3A_120, %select_n3A_119 : i32
      %select_n3A_130 = arith.select %and3A_128, %add3A_129, %rem3A_120 : i32
      %mul3A_131 = arith.constant 64 : i32
      %mul3A_132 = arith.muli %select_n3A_130, %mul3A_131 : i32
      %dma_wait3A = arith.constant 0 : i32
      %dma_wait3A_133 = arith.constant 0 : i32
      %dma_wait3A_134 = arith.constant 0 : i32
      %dma_wait3A_135 = arith.constant 0 : i32
      %dma_wait3A_136 = tpu.memref_slice %arg4[%dma_wait3A_133, %dma_wait3A_134, %dma_wait3A_135] : memref<2x64x256xf32, #tpu.memory_space<vmem>> -> memref<1x64x256xf32, #tpu.memory_space<vmem>>
      %dma_wait3A_137 = tpu.memref_squeeze %dma_wait3A_136 : memref<1x64x256xf32, #tpu.memory_space<vmem>> -> memref<64x256xf32, #tpu.memory_space<vmem>>
      %dma_wait3A_138 = arith.constant 0 : i32
      %dma_wait3A_139 = tpu.memref_slice %arg2[%add3A_114, %dma_wait3A, %mul3A_132, %dma_wait3A_138] : memref<256x1x256x256xf32, #tpu.memory_space<hbm>> -> memref<1x1x64x256xf32, #tpu.memory_space<hbm>>
      %dma_wait3A_140 = tpu.memref_squeeze %dma_wait3A_139 : memref<1x1x64x256xf32, #tpu.memory_space<hbm>> -> memref<64x256xf32, #tpu.memory_space<hbm>>
      %dma_wait3A_141 = arith.constant 0 : i32
      %dma_wait3A_142 = arith.constant 0 : i32
      %dma_wait3A_143 = tpu.memref_slice %arg4[%dma_wait3A_133, %dma_wait3A_141, %dma_wait3A_142] : memref<2x64x256xf32, #tpu.memory_space<vmem>> -> memref<1x64x256xf32, #tpu.memory_space<vmem>>
      %dma_wait3A_144 = tpu.memref_squeeze %dma_wait3A_143 : memref<1x64x256xf32, #tpu.memory_space<vmem>> -> memref<64x256xf32, #tpu.memory_space<vmem>>
      %dma_wait3A_145 = arith.constant 0 : i32
      %dma_wait3A_146 = tpu.memref_slice %arg2[%add3A_114, %dma_wait3A, %mul3A_132, %dma_wait3A_145] : memref<256x1x256x256xf32, #tpu.memory_space<hbm>> -> memref<1x1x64x256xf32, #tpu.memory_space<hbm>>
      %dma_wait3A_147 = tpu.memref_squeeze %dma_wait3A_146 : memref<1x1x64x256xf32, #tpu.memory_space<hbm>> -> memref<64x256xf32, #tpu.memory_space<hbm>>
      tpu.wait_dma2 semaphore(%arg6 : memref<!tpu.dma_semaphore, #tpu.memory_space<semaphore_mem>>) src(%dma_wait3A_147 : memref<64x256xf32, #tpu.memory_space<hbm>>) dst(%dma_wait3A_144 : memref<64x256xf32, #tpu.memory_space<vmem>>)
      %scan3A_148 = arith.constant 0 : i32
      %scan3A_149 = arith.constant 0 : i32
      %scan3A_150 = arith.constant 32 : i32
      %scan3A_151 = arith.addi %scan3A_149, %scan3A_150 : i32
      %scan3A_152 = arith.constant 1 : i32
      scf.for %scan3A_245 = %scan3A_149 to %scan3A_151 step %scan3A_152  : i32 {
        %mul3A_246 = arith.constant 2 : i32
        %mul3A_247 = arith.muli %mul3A_246, %scan3A_245 : i32
        %add3A_248 = arith.constant 0 : i32
        %add3A_249 = arith.addi %mul3A_247, %add3A_248 : i32
        %get3A = arith.constant 0 : i32
        %get3A_250 = arith.index_cast %get3A : i32 to index
        %get3A_251 = arith.index_cast %add3A_249 : i32 to index
        %get3A_252 = arith.constant 0 : index
        %get3A_253 = tpu.vector_load %arg4[%get3A_250, %get3A_251, %get3A_252] {strides = array<i32>} : memref<2x64x256xf32, #tpu.memory_space<vmem>>, vector<16xf32>,
        %mul3A_254 = arith.constant 2 : i32
        %mul3A_255 = arith.muli %mul3A_254, %scan3A_245 : i32
        %add3A_256 = arith.constant 0 : i32
        %add3A_257 = arith.addi %mul3A_255, %add3A_256 : i32
        %get3A_258 = arith.constant 0 : i32
        %get3A_259 = arith.index_cast %get3A_258 : i32 to index
        %get3A_260 = arith.index_cast %add3A_257 : i32 to index
        %get3A_261 = arith.constant 16 : index
        %get3A_262 = tpu.vector_load %arg4[%get3A_259, %get3A_260, %get3A_261] {strides = array<i32>} : memref<2x64x256xf32, #tpu.memory_space<vmem>>, vector<16xf32>,
        %mul3A_263 = arith.constant 2 : i32
        %mul3A_264 = arith.muli %mul3A_263, %scan3A_245 : i32
        %add3A_265 = arith.constant 0 : i32
        %add3A_266 = arith.addi %mul3A_264, %add3A_265 : i32
        %get3A_267 = arith.constant 0 : i32
        %get3A_268 = arith.index_cast %get3A_267 : i32 to index
        %get3A_269 = arith.index_cast %add3A_266 : i32 to index
        %get3A_270 = arith.constant 32 : index
        %get3A_271 = tpu.vector_load %arg4[%get3A_268, %get3A_269, %get3A_270] {strides = array<i32>} : memref<2x64x256xf32, #tpu.memory_space<vmem>>, vector<16xf32>,
        %mul3A_272 = arith.constant 2 : i32
        %mul3A_273 = arith.muli %mul3A_272, %scan3A_245 : i32
        %add3A_274 = arith.constant 0 : i32
        %add3A_275 = arith.addi %mul3A_273, %add3A_274 : i32
        %get3A_276 = arith.constant 0 : i32
        %get3A_277 = arith.index_cast %get3A_276 : i32 to index
        %get3A_278 = arith.index_cast %add3A_275 : i32 to index
        %get3A_279 = arith.constant 48 : index
        %get3A_280 = tpu.vector_load %arg4[%get3A_277, %get3A_278, %get3A_279] {strides = array<i32>} : memref<2x64x256xf32, #tpu.memory_space<vmem>>, vector<16xf32>,
        %mul3A_281 = arith.constant 2 : i32
        %mul3A_282 = arith.muli %mul3A_281, %scan3A_245 : i32
        %add3A_283 = arith.constant 0 : i32
        %add3A_284 = arith.addi %mul3A_282, %add3A_283 : i32
        %get3A_285 = arith.constant 0 : i32
        %get3A_286 = arith.index_cast %get3A_285 : i32 to index
        %get3A_287 = arith.index_cast %add3A_284 : i32 to index
        %get3A_288 = arith.constant 64 : index
        %get3A_289 = tpu.vector_load %arg4[%get3A_286, %get3A_287, %get3A_288] {strides = array<i32>} : memref<2x64x256xf32, #tpu.memory_space<vmem>>, vector<16xf32>,
        %mul3A_290 = arith.constant 2 : i32
        %mul3A_291 = arith.muli %mul3A_290, %scan3A_245 : i32
        %add3A_292 = arith.constant 0 : i32
        %add3A_293 = arith.addi %mul3A_291, %add3A_292 : i32
        %get3A_294 = arith.constant 0 : i32
        %get3A_295 = arith.index_cast %get3A_294 : i32 to index
        %get3A_296 = arith.index_cast %add3A_293 : i32 to index
        %get3A_297 = arith.constant 80 : index
        %get3A_298 = tpu.vector_load %arg4[%get3A_295, %get3A_296, %get3A_297] {strides = array<i32>} : memref<2x64x256xf32, #tpu.memory_space<vmem>>, vector<16xf32>,
        %mul3A_299 = arith.constant 2 : i32
        %mul3A_300 = arith.muli %mul3A_299, %scan3A_245 : i32
        %add3A_301 = arith.constant 0 : i32
        %add3A_302 = arith.addi %mul3A_300, %add3A_301 : i32
        %get3A_303 = arith.constant 0 : i32
        %get3A_304 = arith.index_cast %get3A_303 : i32 to index
        %get3A_305 = arith.index_cast %add3A_302 : i32 to index
        %get3A_306 = arith.constant 96 : index
        %get3A_307 = tpu.vector_load %arg4[%get3A_304, %get3A_305, %get3A_306] {strides = array<i32>} : memref<2x64x256xf32, #tpu.memory_space<vmem>>, vector<16xf32>,
        %mul3A_308 = arith.constant 2 : i32
        %mul3A_309 = arith.muli %mul3A_308, %scan3A_245 : i32
        %add3A_310 = arith.constant 0 : i32
        %add3A_311 = arith.addi %mul3A_309, %add3A_310 : i32
        %get3A_312 = arith.constant 0 : i32
        %get3A_313 = arith.index_cast %get3A_312 : i32 to index
        %get3A_314 = arith.index_cast %add3A_311 : i32 to index
        %get3A_315 = arith.constant 112 : index
        %get3A_316 = tpu.vector_load %arg4[%get3A_313, %get3A_314, %get3A_315] {strides = array<i32>} : memref<2x64x256xf32, #tpu.memory_space<vmem>>, vector<16xf32>,
        %mul3A_317 = arith.constant 2 : i32
        %mul3A_318 = arith.muli %mul3A_317, %scan3A_245 : i32
        %add3A_319 = arith.constant 0 : i32
        %add3A_320 = arith.addi %mul3A_318, %add3A_319 : i32
        %get3A_321 = arith.constant 0 : i32
        %get3A_322 = arith.index_cast %get3A_321 : i32 to index
        %get3A_323 = arith.index_cast %add3A_320 : i32 to index
        %get3A_324 = arith.constant 128 : index
        %get3A_325 = tpu.vector_load %arg4[%get3A_322, %get3A_323, %get3A_324] {strides = array<i32>} : memref<2x64x256xf32, #tpu.memory_space<vmem>>, vector<16xf32>,
        %mul3A_326 = arith.constant 2 : i32
        %mul3A_327 = arith.muli %mul3A_326, %scan3A_245 : i32
        %add3A_328 = arith.constant 0 : i32
        %add3A_329 = arith.addi %mul3A_327, %add3A_328 : i32
        %get3A_330 = arith.constant 0 : i32
        %get3A_331 = arith.index_cast %get3A_330 : i32 to index
        %get3A_332 = arith.index_cast %add3A_329 : i32 to index
        %get3A_333 = arith.constant 144 : index
        %get3A_334 = tpu.vector_load %arg4[%get3A_331, %get3A_332, %get3A_333] {strides = array<i32>} : memref<2x64x256xf32, #tpu.memory_space<vmem>>, vector<16xf32>,
        %mul3A_335 = arith.constant 2 : i32
        %mul3A_336 = arith.muli %mul3A_335, %scan3A_245 : i32
        %add3A_337 = arith.constant 0 : i32
        %add3A_338 = arith.addi %mul3A_336, %add3A_337 : i32
        %get3A_339 = arith.constant 0 : i32
        %get3A_340 = arith.index_cast %get3A_339 : i32 to index
        %get3A_341 = arith.index_cast %add3A_338 : i32 to index
        %get3A_342 = arith.constant 160 : index
        %get3A_343 = tpu.vector_load %arg4[%get3A_340, %get3A_341, %get3A_342] {strides = array<i32>} : memref<2x64x256xf32, #tpu.memory_space<vmem>>, vector<16xf32>,
        %mul3A_344 = arith.constant 2 : i32
        %mul3A_345 = arith.muli %mul3A_344, %scan3A_245 : i32
        %add3A_346 = arith.constant 0 : i32
        %add3A_347 = arith.addi %mul3A_345, %add3A_346 : i32
        %get3A_348 = arith.constant 0 : i32
        %get3A_349 = arith.index_cast %get3A_348 : i32 to index
        %get3A_350 = arith.index_cast %add3A_347 : i32 to index
        %get3A_351 = arith.constant 176 : index
        %get3A_352 = tpu.vector_load %arg4[%get3A_349, %get3A_350, %get3A_351] {strides = array<i32>} : memref<2x64x256xf32, #tpu.memory_space<vmem>>, vector<16xf32>,
        %mul3A_353 = arith.constant 2 : i32
        %mul3A_354 = arith.muli %mul3A_353, %scan3A_245 : i32
        %add3A_355 = arith.constant 0 : i32
        %add3A_356 = arith.addi %mul3A_354, %add3A_355 : i32
        %get3A_357 = arith.constant 0 : i32
        %get3A_358 = arith.index_cast %get3A_357 : i32 to index
        %get3A_359 = arith.index_cast %add3A_356 : i32 to index
        %get3A_360 = arith.constant 192 : index
        %get3A_361 = tpu.vector_load %arg4[%get3A_358, %get3A_359, %get3A_360] {strides = array<i32>} : memref<2x64x256xf32, #tpu.memory_space<vmem>>, vector<16xf32>,
        %mul3A_362 = arith.constant 2 : i32
        %mul3A_363 = arith.muli %mul3A_362, %scan3A_245 : i32
        %add3A_364 = arith.constant 0 : i32
        %add3A_365 = arith.addi %mul3A_363, %add3A_364 : i32
        %get3A_366 = arith.constant 0 : i32
        %get3A_367 = arith.index_cast %get3A_366 : i32 to index
        %get3A_368 = arith.index_cast %add3A_365 : i32 to index
        %get3A_369 = arith.constant 208 : index
        %get3A_370 = tpu.vector_load %arg4[%get3A_367, %get3A_368, %get3A_369] {strides = array<i32>} : memref<2x64x256xf32, #tpu.memory_space<vmem>>, vector<16xf32>,
        %mul3A_371 = arith.constant 2 : i32
        %mul3A_372 = arith.muli %mul3A_371, %scan3A_245 : i32
        %add3A_373 = arith.constant 0 : i32
        %add3A_374 = arith.addi %mul3A_372, %add3A_373 : i32
        %get3A_375 = arith.constant 0 : i32
        %get3A_376 = arith.index_cast %get3A_375 : i32 to index
        %get3A_377 = arith.index_cast %add3A_374 : i32 to index
        %get3A_378 = arith.constant 224 : index
        %get3A_379 = tpu.vector_load %arg4[%get3A_376, %get3A_377, %get3A_378] {strides = array<i32>} : memref<2x64x256xf32, #tpu.memory_space<vmem>>, vector<16xf32>,
        %mul3A_380 = arith.constant 2 : i32
        %mul3A_381 = arith.muli %mul3A_380, %scan3A_245 : i32
        %add3A_382 = arith.constant 0 : i32
        %add3A_383 = arith.addi %mul3A_381, %add3A_382 : i32
        %get3A_384 = arith.constant 0 : i32
        %get3A_385 = arith.index_cast %get3A_384 : i32 to index
        %get3A_386 = arith.index_cast %add3A_383 : i32 to index
        %get3A_387 = arith.constant 240 : index
        %get3A_388 = tpu.vector_load %arg4[%get3A_385, %get3A_386, %get3A_387] {strides = array<i32>} : memref<2x64x256xf32, #tpu.memory_space<vmem>>, vector<16xf32>,
        %mul3A_389 = arith.constant 2 : i32
        %mul3A_390 = arith.muli %mul3A_389, %scan3A_245 : i32
        %add3A_391 = arith.constant 1 : i32
        %add3A_392 = arith.addi %mul3A_390, %add3A_391 : i32
        %get3A_393 = arith.constant 0 : i32
        %get3A_394 = arith.index_cast %get3A_393 : i32 to index
        %get3A_395 = arith.index_cast %add3A_392 : i32 to index
        %get3A_396 = arith.constant 0 : index
        %get3A_397 = tpu.vector_load %arg4[%get3A_394, %get3A_395, %get3A_396] {strides = array<i32>} : memref<2x64x256xf32, #tpu.memory_space<vmem>>, vector<16xf32>,
        %mul3A_398 = arith.constant 2 : i32
        %mul3A_399 = arith.muli %mul3A_398, %scan3A_245 : i32
        %add3A_400 = arith.constant 1 : i32
        %add3A_401 = arith.addi %mul3A_399, %add3A_400 : i32
        %get3A_402 = arith.constant 0 : i32
        %get3A_403 = arith.index_cast %get3A_402 : i32 to index
        %get3A_404 = arith.index_cast %add3A_401 : i32 to index
        %get3A_405 = arith.constant 16 : index
        %get3A_406 = tpu.vector_load %arg4[%get3A_403, %get3A_404, %get3A_405] {strides = array<i32>} : memref<2x64x256xf32, #tpu.memory_space<vmem>>, vector<16xf32>,
        %mul3A_407 = arith.constant 2 : i32
        %mul3A_408 = arith.muli %mul3A_407, %scan3A_245 : i32
        %add3A_409 = arith.constant 1 : i32
        %add3A_410 = arith.addi %mul3A_408, %add3A_409 : i32
        %get3A_411 = arith.constant 0 : i32
        %get3A_412 = arith.index_cast %get3A_411 : i32 to index
        %get3A_413 = arith.index_cast %add3A_410 : i32 to index
        %get3A_414 = arith.constant 32 : index
        %get3A_415 = tpu.vector_load %arg4[%get3A_412, %get3A_413, %get3A_414] {strides = array<i32>} : memref<2x64x256xf32, #tpu.memory_space<vmem>>, vector<16xf32>,
        %mul3A_416 = arith.constant 2 : i32
        %mul3A_417 = arith.muli %mul3A_416, %scan3A_245 : i32
        %add3A_418 = arith.constant 1 : i32
        %add3A_419 = arith.addi %mul3A_417, %add3A_418 : i32
        %get3A_420 = arith.constant 0 : i32
        %get3A_421 = arith.index_cast %get3A_420 : i32 to index
        %get3A_422 = arith.index_cast %add3A_419 : i32 to index
        %get3A_423 = arith.constant 48 : index
        %get3A_424 = tpu.vector_load %arg4[%get3A_421, %get3A_422, %get3A_423] {strides = array<i32>} : memref<2x64x256xf32, #tpu.memory_space<vmem>>, vector<16xf32>,
        %mul3A_425 = arith.constant 2 : i32
        %mul3A_426 = arith.muli %mul3A_425, %scan3A_245 : i32
        %add3A_427 = arith.constant 1 : i32
        %add3A_428 = arith.addi %mul3A_426, %add3A_427 : i32
        %get3A_429 = arith.constant 0 : i32
        %get3A_430 = arith.index_cast %get3A_429 : i32 to index
        %get3A_431 = arith.index_cast %add3A_428 : i32 to index
        %get3A_432 = arith.constant 64 : index
        %get3A_433 = tpu.vector_load %arg4[%get3A_430, %get3A_431, %get3A_432] {strides = array<i32>} : memref<2x64x256xf32, #tpu.memory_space<vmem>>, vector<16xf32>,
        %mul3A_434 = arith.constant 2 : i32
        %mul3A_435 = arith.muli %mul3A_434, %scan3A_245 : i32
        %add3A_436 = arith.constant 1 : i32
        %add3A_437 = arith.addi %mul3A_435, %add3A_436 : i32
        %get3A_438 = arith.constant 0 : i32
        %get3A_439 = arith.index_cast %get3A_438 : i32 to index
        %get3A_440 = arith.index_cast %add3A_437 : i32 to index
        %get3A_441 = arith.constant 80 : index
        %get3A_442 = tpu.vector_load %arg4[%get3A_439, %get3A_440, %get3A_441] {strides = array<i32>} : memref<2x64x256xf32, #tpu.memory_space<vmem>>, vector<16xf32>,
        %mul3A_443 = arith.constant 2 : i32
        %mul3A_444 = arith.muli %mul3A_443, %scan3A_245 : i32
        %add3A_445 = arith.constant 1 : i32
        %add3A_446 = arith.addi %mul3A_444, %add3A_445 : i32
        %get3A_447 = arith.constant 0 : i32
        %get3A_448 = arith.index_cast %get3A_447 : i32 to index
        %get3A_449 = arith.index_cast %add3A_446 : i32 to index
        %get3A_450 = arith.constant 96 : index
        %get3A_451 = tpu.vector_load %arg4[%get3A_448, %get3A_449, %get3A_450] {strides = array<i32>} : memref<2x64x256xf32, #tpu.memory_space<vmem>>, vector<16xf32>,
        %mul3A_452 = arith.constant 2 : i32
        %mul3A_453 = arith.muli %mul3A_452, %scan3A_245 : i32
        %add3A_454 = arith.constant 1 : i32
        %add3A_455 = arith.addi %mul3A_453, %add3A_454 : i32
        %get3A_456 = arith.constant 0 : i32
        %get3A_457 = arith.index_cast %get3A_456 : i32 to index
        %get3A_458 = arith.index_cast %add3A_455 : i32 to index
        %get3A_459 = arith.constant 112 : index
        %get3A_460 = tpu.vector_load %arg4[%get3A_457, %get3A_458, %get3A_459] {strides = array<i32>} : memref<2x64x256xf32, #tpu.memory_space<vmem>>, vector<16xf32>,
        %mul3A_461 = arith.constant 2 : i32
        %mul3A_462 = arith.muli %mul3A_461, %scan3A_245 : i32
        %add3A_463 = arith.constant 1 : i32
        %add3A_464 = arith.addi %mul3A_462, %add3A_463 : i32
        %get3A_465 = arith.constant 0 : i32
        %get3A_466 = arith.index_cast %get3A_465 : i32 to index
        %get3A_467 = arith.index_cast %add3A_464 : i32 to index
        %get3A_468 = arith.constant 128 : index
        %get3A_469 = tpu.vector_load %arg4[%get3A_466, %get3A_467, %get3A_468] {strides = array<i32>} : memref<2x64x256xf32, #tpu.memory_space<vmem>>, vector<16xf32>,
        %mul3A_470 = arith.constant 2 : i32
        %mul3A_471 = arith.muli %mul3A_470, %scan3A_245 : i32
        %add3A_472 = arith.constant 1 : i32
        %add3A_473 = arith.addi %mul3A_471, %add3A_472 : i32
        %get3A_474 = arith.constant 0 : i32
        %get3A_475 = arith.index_cast %get3A_474 : i32 to index
        %get3A_476 = arith.index_cast %add3A_473 : i32 to index
        %get3A_477 = arith.constant 144 : index
        %get3A_478 = tpu.vector_load %arg4[%get3A_475, %get3A_476, %get3A_477] {strides = array<i32>} : memref<2x64x256xf32, #tpu.memory_space<vmem>>, vector<16xf32>,
        %mul3A_479 = arith.constant 2 : i32
        %mul3A_480 = arith.muli %mul3A_479, %scan3A_245 : i32
        %add3A_481 = arith.constant 1 : i32
        %add3A_482 = arith.addi %mul3A_480, %add3A_481 : i32
        %get3A_483 = arith.constant 0 : i32
        %get3A_484 = arith.index_cast %get3A_483 : i32 to index
        %get3A_485 = arith.index_cast %add3A_482 : i32 to index
        %get3A_486 = arith.constant 160 : index
        %get3A_487 = tpu.vector_load %arg4[%get3A_484, %get3A_485, %get3A_486] {strides = array<i32>} : memref<2x64x256xf32, #tpu.memory_space<vmem>>, vector<16xf32>,
        %mul3A_488 = arith.constant 2 : i32
        %mul3A_489 = arith.muli %mul3A_488, %scan3A_245 : i32
        %add3A_490 = arith.constant 1 : i32
        %add3A_491 = arith.addi %mul3A_489, %add3A_490 : i32
        %get3A_492 = arith.constant 0 : i32
        %get3A_493 = arith.index_cast %get3A_492 : i32 to index
        %get3A_494 = arith.index_cast %add3A_491 : i32 to index
        %get3A_495 = arith.constant 176 : index
        %get3A_496 = tpu.vector_load %arg4[%get3A_493, %get3A_494, %get3A_495] {strides = array<i32>} : memref<2x64x256xf32, #tpu.memory_space<vmem>>, vector<16xf32>,
        %mul3A_497 = arith.constant 2 : i32
        %mul3A_498 = arith.muli %mul3A_497, %scan3A_245 : i32
        %add3A_499 = arith.constant 1 : i32
        %add3A_500 = arith.addi %mul3A_498, %add3A_499 : i32
        %get3A_501 = arith.constant 0 : i32
        %get3A_502 = arith.index_cast %get3A_501 : i32 to index
        %get3A_503 = arith.index_cast %add3A_500 : i32 to index
        %get3A_504 = arith.constant 192 : index
        %get3A_505 = tpu.vector_load %arg4[%get3A_502, %get3A_503, %get3A_504] {strides = array<i32>} : memref<2x64x256xf32, #tpu.memory_space<vmem>>, vector<16xf32>,
        %mul3A_506 = arith.constant 2 : i32
        %mul3A_507 = arith.muli %mul3A_506, %scan3A_245 : i32
        %add3A_508 = arith.constant 1 : i32
        %add3A_509 = arith.addi %mul3A_507, %add3A_508 : i32
        %get3A_510 = arith.constant 0 : i32
        %get3A_511 = arith.index_cast %get3A_510 : i32 to index
        %get3A_512 = arith.index_cast %add3A_509 : i32 to index
        %get3A_513 = arith.constant 208 : index
        %get3A_514 = tpu.vector_load %arg4[%get3A_511, %get3A_512, %get3A_513] {strides = array<i32>} : memref<2x64x256xf32, #tpu.memory_space<vmem>>, vector<16xf32>,
        %mul3A_515 = arith.constant 2 : i32
        %mul3A_516 = arith.muli %mul3A_515, %scan3A_245 : i32
        %add3A_517 = arith.constant 1 : i32
        %add3A_518 = arith.addi %mul3A_516, %add3A_517 : i32
        %get3A_519 = arith.constant 0 : i32
        %get3A_520 = arith.index_cast %get3A_519 : i32 to index
        %get3A_521 = arith.index_cast %add3A_518 : i32 to index
        %get3A_522 = arith.constant 224 : index
        %get3A_523 = tpu.vector_load %arg4[%get3A_520, %get3A_521, %get3A_522] {strides = array<i32>} : memref<2x64x256xf32, #tpu.memory_space<vmem>>, vector<16xf32>,
        %mul3A_524 = arith.constant 2 : i32
        %mul3A_525 = arith.muli %mul3A_524, %scan3A_245 : i32
        %add3A_526 = arith.constant 1 : i32
        %add3A_527 = arith.addi %mul3A_525, %add3A_526 : i32
        %get3A_528 = arith.constant 0 : i32
        %get3A_529 = arith.index_cast %get3A_528 : i32 to index
        %get3A_530 = arith.index_cast %add3A_527 : i32 to index
        %get3A_531 = arith.constant 240 : index
        %get3A_532 = tpu.vector_load %arg4[%get3A_529, %get3A_530, %get3A_531] {strides = array<i32>} : memref<2x64x256xf32, #tpu.memory_space<vmem>>, vector<16xf32>,
        %mul3A_533 = arith.constant 2.550000e+02 : f32
        %mul3A_534 = vector.broadcast %mul3A_533 : f32 to vector<16xf32>
        %mul3A_535 = arith.mulf %get3A_253, %mul3A_534 : vector<16xf32>
        %convert_element_type3A_536 = arith.fptosi %mul3A_535 : vector<16xf32> to vector<16xi32>
        %mul3A_537 = arith.constant 2.550000e+02 : f32
        %mul3A_538 = vector.broadcast %mul3A_537 : f32 to vector<16xf32>
        %mul3A_539 = arith.mulf %get3A_262, %mul3A_538 : vector<16xf32>
        %convert_element_type3A_540 = arith.fptosi %mul3A_539 : vector<16xf32> to vector<16xi32>
        %mul3A_541 = arith.constant 2.550000e+02 : f32
        %mul3A_542 = vector.broadcast %mul3A_541 : f32 to vector<16xf32>
        %mul3A_543 = arith.mulf %get3A_271, %mul3A_542 : vector<16xf32>
        %convert_element_type3A_544 = arith.fptosi %mul3A_543 : vector<16xf32> to vector<16xi32>
        %mul3A_545 = arith.constant 2.550000e+02 : f32
        %mul3A_546 = vector.broadcast %mul3A_545 : f32 to vector<16xf32>
        %mul3A_547 = arith.mulf %get3A_280, %mul3A_546 : vector<16xf32>
        %convert_element_type3A_548 = arith.fptosi %mul3A_547 : vector<16xf32> to vector<16xi32>
        %mul3A_549 = arith.constant 2.550000e+02 : f32
        %mul3A_550 = vector.broadcast %mul3A_549 : f32 to vector<16xf32>
        %mul3A_551 = arith.mulf %get3A_289, %mul3A_550 : vector<16xf32>
        %convert_element_type3A_552 = arith.fptosi %mul3A_551 : vector<16xf32> to vector<16xi32>
        %mul3A_553 = arith.constant 2.550000e+02 : f32
        %mul3A_554 = vector.broadcast %mul3A_553 : f32 to vector<16xf32>
        %mul3A_555 = arith.mulf %get3A_298, %mul3A_554 : vector<16xf32>
        %convert_element_type3A_556 = arith.fptosi %mul3A_555 : vector<16xf32> to vector<16xi32>
        %mul3A_557 = arith.constant 2.550000e+02 : f32
        %mul3A_558 = vector.broadcast %mul3A_557 : f32 to vector<16xf32>
        %mul3A_559 = arith.mulf %get3A_307, %mul3A_558 : vector<16xf32>
        %convert_element_type3A_560 = arith.fptosi %mul3A_559 : vector<16xf32> to vector<16xi32>
        %mul3A_561 = arith.constant 2.550000e+02 : f32
        %mul3A_562 = vector.broadcast %mul3A_561 : f32 to vector<16xf32>
        %mul3A_563 = arith.mulf %get3A_316, %mul3A_562 : vector<16xf32>
        %convert_element_type3A_564 = arith.fptosi %mul3A_563 : vector<16xf32> to vector<16xi32>
        %mul3A_565 = arith.constant 2.550000e+02 : f32
        %mul3A_566 = vector.broadcast %mul3A_565 : f32 to vector<16xf32>
        %mul3A_567 = arith.mulf %get3A_325, %mul3A_566 : vector<16xf32>
        %convert_element_type3A_568 = arith.fptosi %mul3A_567 : vector<16xf32> to vector<16xi32>
        %mul3A_569 = arith.constant 2.550000e+02 : f32
        %mul3A_570 = vector.broadcast %mul3A_569 : f32 to vector<16xf32>
        %mul3A_571 = arith.mulf %get3A_334, %mul3A_570 : vector<16xf32>
        %convert_element_type3A_572 = arith.fptosi %mul3A_571 : vector<16xf32> to vector<16xi32>
        %mul3A_573 = arith.constant 2.550000e+02 : f32
        %mul3A_574 = vector.broadcast %mul3A_573 : f32 to vector<16xf32>
        %mul3A_575 = arith.mulf %get3A_343, %mul3A_574 : vector<16xf32>
        %convert_element_type3A_576 = arith.fptosi %mul3A_575 : vector<16xf32> to vector<16xi32>
        %mul3A_577 = arith.constant 2.550000e+02 : f32
        %mul3A_578 = vector.broadcast %mul3A_577 : f32 to vector<16xf32>
        %mul3A_579 = arith.mulf %get3A_352, %mul3A_578 : vector<16xf32>
        %convert_element_type3A_580 = arith.fptosi %mul3A_579 : vector<16xf32> to vector<16xi32>
        %mul3A_581 = arith.constant 2.550000e+02 : f32
        %mul3A_582 = vector.broadcast %mul3A_581 : f32 to vector<16xf32>
        %mul3A_583 = arith.mulf %get3A_361, %mul3A_582 : vector<16xf32>
        %convert_element_type3A_584 = arith.fptosi %mul3A_583 : vector<16xf32> to vector<16xi32>
        %mul3A_585 = arith.constant 2.550000e+02 : f32
        %mul3A_586 = vector.broadcast %mul3A_585 : f32 to vector<16xf32>
        %mul3A_587 = arith.mulf %get3A_370, %mul3A_586 : vector<16xf32>
        %convert_element_type3A_588 = arith.fptosi %mul3A_587 : vector<16xf32> to vector<16xi32>
        %mul3A_589 = arith.constant 2.550000e+02 : f32
        %mul3A_590 = vector.broadcast %mul3A_589 : f32 to vector<16xf32>
        %mul3A_591 = arith.mulf %get3A_379, %mul3A_590 : vector<16xf32>
        %convert_element_type3A_592 = arith.fptosi %mul3A_591 : vector<16xf32> to vector<16xi32>
        %mul3A_593 = arith.constant 2.550000e+02 : f32
        %mul3A_594 = vector.broadcast %mul3A_593 : f32 to vector<16xf32>
        %mul3A_595 = arith.mulf %get3A_388, %mul3A_594 : vector<16xf32>
        %convert_element_type3A_596 = arith.fptosi %mul3A_595 : vector<16xf32> to vector<16xi32>
        %mul3A_597 = arith.constant 2.550000e+02 : f32
        %mul3A_598 = vector.broadcast %mul3A_597 : f32 to vector<16xf32>
        %mul3A_599 = arith.mulf %get3A_397, %mul3A_598 : vector<16xf32>
        %convert_element_type3A_600 = arith.fptosi %mul3A_599 : vector<16xf32> to vector<16xi32>
        %mul3A_601 = arith.constant 2.550000e+02 : f32
        %mul3A_602 = vector.broadcast %mul3A_601 : f32 to vector<16xf32>
        %mul3A_603 = arith.mulf %get3A_406, %mul3A_602 : vector<16xf32>
        %convert_element_type3A_604 = arith.fptosi %mul3A_603 : vector<16xf32> to vector<16xi32>
        %mul3A_605 = arith.constant 2.550000e+02 : f32
        %mul3A_606 = vector.broadcast %mul3A_605 : f32 to vector<16xf32>
        %mul3A_607 = arith.mulf %get3A_415, %mul3A_606 : vector<16xf32>
        %convert_element_type3A_608 = arith.fptosi %mul3A_607 : vector<16xf32> to vector<16xi32>
        %mul3A_609 = arith.constant 2.550000e+02 : f32
        %mul3A_610 = vector.broadcast %mul3A_609 : f32 to vector<16xf32>
        %mul3A_611 = arith.mulf %get3A_424, %mul3A_610 : vector<16xf32>
        %convert_element_type3A_612 = arith.fptosi %mul3A_611 : vector<16xf32> to vector<16xi32>
        %mul3A_613 = arith.constant 2.550000e+02 : f32
        %mul3A_614 = vector.broadcast %mul3A_613 : f32 to vector<16xf32>
        %mul3A_615 = arith.mulf %get3A_433, %mul3A_614 : vector<16xf32>
        %convert_element_type3A_616 = arith.fptosi %mul3A_615 : vector<16xf32> to vector<16xi32>
        %mul3A_617 = arith.constant 2.550000e+02 : f32
        %mul3A_618 = vector.broadcast %mul3A_617 : f32 to vector<16xf32>
        %mul3A_619 = arith.mulf %get3A_442, %mul3A_618 : vector<16xf32>
        %convert_element_type3A_620 = arith.fptosi %mul3A_619 : vector<16xf32> to vector<16xi32>
        %mul3A_621 = arith.constant 2.550000e+02 : f32
        %mul3A_622 = vector.broadcast %mul3A_621 : f32 to vector<16xf32>
        %mul3A_623 = arith.mulf %get3A_451, %mul3A_622 : vector<16xf32>
        %convert_element_type3A_624 = arith.fptosi %mul3A_623 : vector<16xf32> to vector<16xi32>
        %mul3A_625 = arith.constant 2.550000e+02 : f32
        %mul3A_626 = vector.broadcast %mul3A_625 : f32 to vector<16xf32>
        %mul3A_627 = arith.mulf %get3A_460, %mul3A_626 : vector<16xf32>
        %convert_element_type3A_628 = arith.fptosi %mul3A_627 : vector<16xf32> to vector<16xi32>
        %mul3A_629 = arith.constant 2.550000e+02 : f32
        %mul3A_630 = vector.broadcast %mul3A_629 : f32 to vector<16xf32>
        %mul3A_631 = arith.mulf %get3A_469, %mul3A_630 : vector<16xf32>
        %convert_element_type3A_632 = arith.fptosi %mul3A_631 : vector<16xf32> to vector<16xi32>
        %mul3A_633 = arith.constant 2.550000e+02 : f32
        %mul3A_634 = vector.broadcast %mul3A_633 : f32 to vector<16xf32>
        %mul3A_635 = arith.mulf %get3A_478, %mul3A_634 : vector<16xf32>
        %convert_element_type3A_636 = arith.fptosi %mul3A_635 : vector<16xf32> to vector<16xi32>
        %mul3A_637 = arith.constant 2.550000e+02 : f32
        %mul3A_638 = vector.broadcast %mul3A_637 : f32 to vector<16xf32>
        %mul3A_639 = arith.mulf %get3A_487, %mul3A_638 : vector<16xf32>
        %convert_element_type3A_640 = arith.fptosi %mul3A_639 : vector<16xf32> to vector<16xi32>
        %mul3A_641 = arith.constant 2.550000e+02 : f32
        %mul3A_642 = vector.broadcast %mul3A_641 : f32 to vector<16xf32>
        %mul3A_643 = arith.mulf %get3A_496, %mul3A_642 : vector<16xf32>
        %convert_element_type3A_644 = arith.fptosi %mul3A_643 : vector<16xf32> to vector<16xi32>
        %mul3A_645 = arith.constant 2.550000e+02 : f32
        %mul3A_646 = vector.broadcast %mul3A_645 : f32 to vector<16xf32>
        %mul3A_647 = arith.mulf %get3A_505, %mul3A_646 : vector<16xf32>
        %convert_element_type3A_648 = arith.fptosi %mul3A_647 : vector<16xf32> to vector<16xi32>
        %mul3A_649 = arith.constant 2.550000e+02 : f32
        %mul3A_650 = vector.broadcast %mul3A_649 : f32 to vector<16xf32>
        %mul3A_651 = arith.mulf %get3A_514, %mul3A_650 : vector<16xf32>
        %convert_element_type3A_652 = arith.fptosi %mul3A_651 : vector<16xf32> to vector<16xi32>
        %mul3A_653 = arith.constant 2.550000e+02 : f32
        %mul3A_654 = vector.broadcast %mul3A_653 : f32 to vector<16xf32>
        %mul3A_655 = arith.mulf %get3A_523, %mul3A_654 : vector<16xf32>
        %convert_element_type3A_656 = arith.fptosi %mul3A_655 : vector<16xf32> to vector<16xi32>
        %mul3A_657 = arith.constant 2.550000e+02 : f32
        %mul3A_658 = vector.broadcast %mul3A_657 : f32 to vector<16xf32>
        %mul3A_659 = arith.mulf %get3A_532, %mul3A_658 : vector<16xf32>
        %convert_element_type3A_660 = arith.fptosi %mul3A_659 : vector<16xf32> to vector<16xi32>
        tpu.vector_store_idx %arg5[%convert_element_type3A_536], %broadcast_in_dim3A_1 {add = true} : memref<256xf32, #tpu.memory_space<vmem>>[vector<16xi32>], vector<16xf32>,
        tpu.vector_store_idx %arg5[%convert_element_type3A_540], %broadcast_in_dim3A_1 {add = true} : memref<256xf32, #tpu.memory_space<vmem>>[vector<16xi32>], vector<16xf32>,
        tpu.vector_store_idx %arg5[%convert_element_type3A_544], %broadcast_in_dim3A_1 {add = true} : memref<256xf32, #tpu.memory_space<vmem>>[vector<16xi32>], vector<16xf32>,
        tpu.vector_store_idx %arg5[%convert_element_type3A_548], %broadcast_in_dim3A_1 {add = true} : memref<256xf32, #tpu.memory_space<vmem>>[vector<16xi32>], vector<16xf32>,
        tpu.vector_store_idx %arg5[%convert_element_type3A_552], %broadcast_in_dim3A_1 {add = true} : memref<256xf32, #tpu.memory_space<vmem>>[vector<16xi32>], vector<16xf32>,
        tpu.vector_store_idx %arg5[%convert_element_type3A_556], %broadcast_in_dim3A_1 {add = true} : memref<256xf32, #tpu.memory_space<vmem>>[vector<16xi32>], vector<16xf32>,
        tpu.vector_store_idx %arg5[%convert_element_type3A_560], %broadcast_in_dim3A_1 {add = true} : memref<256xf32, #tpu.memory_space<vmem>>[vector<16xi32>], vector<16xf32>,
        tpu.vector_store_idx %arg5[%convert_element_type3A_564], %broadcast_in_dim3A_1 {add = true} : memref<256xf32, #tpu.memory_space<vmem>>[vector<16xi32>], vector<16xf32>,
        tpu.vector_store_idx %arg5[%convert_element_type3A_568], %broadcast_in_dim3A_1 {add = true} : memref<256xf32, #tpu.memory_space<vmem>>[vector<16xi32>], vector<16xf32>,
        tpu.vector_store_idx %arg5[%convert_element_type3A_572], %broadcast_in_dim3A_1 {add = true} : memref<256xf32, #tpu.memory_space<vmem>>[vector<16xi32>], vector<16xf32>,
        tpu.vector_store_idx %arg5[%convert_element_type3A_576], %broadcast_in_dim3A_1 {add = true} : memref<256xf32, #tpu.memory_space<vmem>>[vector<16xi32>], vector<16xf32>,
        tpu.vector_store_idx %arg5[%convert_element_type3A_580], %broadcast_in_dim3A_1 {add = true} : memref<256xf32, #tpu.memory_space<vmem>>[vector<16xi32>], vector<16xf32>,
        tpu.vector_store_idx %arg5[%convert_element_type3A_584], %broadcast_in_dim3A_1 {add = true} : memref<256xf32, #tpu.memory_space<vmem>>[vector<16xi32>], vector<16xf32>,
        tpu.vector_store_idx %arg5[%convert_element_type3A_588], %broadcast_in_dim3A_1 {add = true} : memref<256xf32, #tpu.memory_space<vmem>>[vector<16xi32>], vector<16xf32>,
        tpu.vector_store_idx %arg5[%convert_element_type3A_592], %broadcast_in_dim3A_1 {add = true} : memref<256xf32, #tpu.memory_space<vmem>>[vector<16xi32>], vector<16xf32>,
        tpu.vector_store_idx %arg5[%convert_element_type3A_596], %broadcast_in_dim3A_1 {add = true} : memref<256xf32, #tpu.memory_space<vmem>>[vector<16xi32>], vector<16xf32>,
        tpu.vector_store_idx %arg5[%convert_element_type3A_600], %broadcast_in_dim3A_1 {add = true} : memref<256xf32, #tpu.memory_space<vmem>>[vector<16xi32>], vector<16xf32>,
        tpu.vector_store_idx %arg5[%convert_element_type3A_604], %broadcast_in_dim3A_1 {add = true} : memref<256xf32, #tpu.memory_space<vmem>>[vector<16xi32>], vector<16xf32>,
        tpu.vector_store_idx %arg5[%convert_element_type3A_608], %broadcast_in_dim3A_1 {add = true} : memref<256xf32, #tpu.memory_space<vmem>>[vector<16xi32>], vector<16xf32>,
        tpu.vector_store_idx %arg5[%convert_element_type3A_612], %broadcast_in_dim3A_1 {add = true} : memref<256xf32, #tpu.memory_space<vmem>>[vector<16xi32>], vector<16xf32>,
        tpu.vector_store_idx %arg5[%convert_element_type3A_616], %broadcast_in_dim3A_1 {add = true} : memref<256xf32, #tpu.memory_space<vmem>>[vector<16xi32>], vector<16xf32>,
        tpu.vector_store_idx %arg5[%convert_element_type3A_620], %broadcast_in_dim3A_1 {add = true} : memref<256xf32, #tpu.memory_space<vmem>>[vector<16xi32>], vector<16xf32>,
        tpu.vector_store_idx %arg5[%convert_element_type3A_624], %broadcast_in_dim3A_1 {add = true} : memref<256xf32, #tpu.memory_space<vmem>>[vector<16xi32>], vector<16xf32>,
        tpu.vector_store_idx %arg5[%convert_element_type3A_628], %broadcast_in_dim3A_1 {add = true} : memref<256xf32, #tpu.memory_space<vmem>>[vector<16xi32>], vector<16xf32>,
        tpu.vector_store_idx %arg5[%convert_element_type3A_632], %broadcast_in_dim3A_1 {add = true} : memref<256xf32, #tpu.memory_space<vmem>>[vector<16xi32>], vector<16xf32>,
        tpu.vector_store_idx %arg5[%convert_element_type3A_636], %broadcast_in_dim3A_1 {add = true} : memref<256xf32, #tpu.memory_space<vmem>>[vector<16xi32>], vector<16xf32>,
        tpu.vector_store_idx %arg5[%convert_element_type3A_640], %broadcast_in_dim3A_1 {add = true} : memref<256xf32, #tpu.memory_space<vmem>>[vector<16xi32>], vector<16xf32>,
        tpu.vector_store_idx %arg5[%convert_element_type3A_644], %broadcast_in_dim3A_1 {add = true} : memref<256xf32, #tpu.memory_space<vmem>>[vector<16xi32>], vector<16xf32>,
        tpu.vector_store_idx %arg5[%convert_element_type3A_648], %broadcast_in_dim3A_1 {add = true} : memref<256xf32, #tpu.memory_space<vmem>>[vector<16xi32>], vector<16xf32>,
        tpu.vector_store_idx %arg5[%convert_element_type3A_652], %broadcast_in_dim3A_1 {add = true} : memref<256xf32, #tpu.memory_space<vmem>>[vector<16xi32>], vector<16xf32>,
        tpu.vector_store_idx %arg5[%convert_element_type3A_656], %broadcast_in_dim3A_1 {add = true} : memref<256xf32, #tpu.memory_space<vmem>>[vector<16xi32>], vector<16xf32>,
        tpu.vector_store_idx %arg5[%convert_element_type3A_660], %broadcast_in_dim3A_1 {add = true} : memref<256xf32, #tpu.memory_space<vmem>>[vector<16xi32>], vector<16xf32>,
      }
      %scan3A_153 = arith.constant 32 : i32
      %add3A_154 = arith.constant 2 : i32
      %add3A_155 = arith.addi %mul3A_38, %add3A_154 : i32
      %lt3A_156 = arith.constant 32 : i32
      %lt3A_157 = arith.cmpi slt, %add3A_155, %lt3A_156 : i32
      %convert_element_type3A = arith.extui %lt3A_157 : i1 to i32
      %cond3A = arith.constant 0 : i32
      %cond3A_158 = arith.cmpi ne, %convert_element_type3A, %cond3A : i32
      scf.if %cond3A_158 {
        %add3A_245 = arith.constant 2 : i32
        %add3A_246 = arith.addi %mul3A_38, %add3A_245 : i32
        %jit3A_247 = arith.constant 4 : i32
        %div3A_248 = arith.divsi %add3A_246, %jit3A_247 : i32
        %sign3A_249 = arith.constant 0 : i32
        %sign3A_250 = arith.cmpi sgt, %add3A_246, %sign3A_249 : i32
        %sign3A_251 = arith.extui %sign3A_250 : i1 to i32
        %sign3A_252 = arith.constant 0 : i32
        %sign3A_253 = arith.cmpi slt, %add3A_246, %sign3A_252 : i32
        %sign3A_254 = arith.extui %sign3A_253 : i1 to i32
        %sign3A_255 = arith.subi %sign3A_251, %sign3A_254 : i32
        %sign3A_256 = arith.constant 0 : i32
        %sign3A_257 = arith.cmpi sgt, %jit3A_247, %sign3A_256 : i32
        %sign3A_258 = arith.extui %sign3A_257 : i1 to i32
        %sign3A_259 = arith.constant 0 : i32
        %sign3A_260 = arith.cmpi slt, %jit3A_247, %sign3A_259 : i32
        %sign3A_261 = arith.extui %sign3A_260 : i1 to i32
        %sign3A_262 = arith.subi %sign3A_258, %sign3A_261 : i32
        %ne3A_263 = arith.cmpi ne, %sign3A_255, %sign3A_262 : i32
        %rem3A_264 = arith.remsi %add3A_246, %jit3A_247 : i32
        %ne3A_265 = arith.constant 0 : i32
        %ne3A_266 = arith.cmpi ne, %rem3A_264, %ne3A_265 : i32
        %and3A_267 = arith.andi %ne3A_263, %ne3A_266 : i1
        %sub3A_268 = arith.constant 1 : i32
        %sub3A_269 = arith.subi %div3A_248, %sub3A_268 : i32
        %select_n3A_270 = arith.select %and3A_267, %sub3A_269, %div3A_248 : i32
        %add3A_271 = arith.addi %mul3A_5, %select_n3A_270 : i32
        %jit3A_272 = arith.constant 4 : i32
        %eq3A_273 = arith.constant 0 : i32
        %eq3A_274 = arith.cmpi eq, %jit3A_272, %eq3A_273 : i32
        %jit3A_275 = arith.constant 1 : i32
        %select_n3A_276 = arith.select %eq3A_274, %jit3A_275, %jit3A_272 : i32
        %rem3A_277 = arith.remsi %add3A_246, %select_n3A_276 : i32
        %ne3A_278 = arith.constant 0 : i32
        %ne3A_279 = arith.cmpi ne, %rem3A_277, %ne3A_278 : i32
        %lt3A_280 = arith.constant 0 : i32
        %lt3A_281 = arith.cmpi slt, %rem3A_277, %lt3A_280 : i32
        %lt3A_282 = arith.constant 0 : i32
        %lt3A_283 = arith.cmpi slt, %select_n3A_276, %lt3A_282 : i32
        %ne3A_284 = arith.xori %lt3A_281, %lt3A_283 : i1
        %and3A_285 = arith.andi %ne3A_284, %ne3A_279 : i1
        %add3A_286 = arith.addi %rem3A_277, %select_n3A_276 : i32
        %select_n3A_287 = arith.select %and3A_285, %add3A_286, %rem3A_277 : i32
        %mul3A_288 = arith.constant 64 : i32
        %mul3A_289 = arith.muli %select_n3A_287, %mul3A_288 : i32
        %dma_start3A_290 = arith.constant 0 : i32
        %dma_start3A_291 = arith.constant 0 : i32
        %dma_start3A_292 = arith.constant 0 : i32
        %dma_start3A_293 = arith.constant 0 : i32
        %dma_start3A_294 = tpu.memref_slice %arg4[%dma_start3A_291, %dma_start3A_292, %dma_start3A_293] : memref<2x64x256xf32, #tpu.memory_space<vmem>> -> memref<1x64x256xf32, #tpu.memory_space<vmem>>
        %dma_start3A_295 = tpu.memref_squeeze %dma_start3A_294 : memref<1x64x256xf32, #tpu.memory_space<vmem>> -> memref<64x256xf32, #tpu.memory_space<vmem>>
        %dma_start3A_296 = arith.constant 0 : i32
        %dma_start3A_297 = tpu.memref_slice %arg2[%add3A_271, %dma_start3A_290, %mul3A_289, %dma_start3A_296] : memref<256x1x256x256xf32, #tpu.memory_space<hbm>> -> memref<1x1x64x256xf32, #tpu.memory_space<hbm>>
        %dma_start3A_298 = tpu.memref_squeeze %dma_start3A_297 : memref<1x1x64x256xf32, #tpu.memory_space<hbm>> -> memref<64x256xf32, #tpu.memory_space<hbm>>
        %dma_start3A_299 = arith.constant 0 : i32
        %dma_start3A_300 = arith.constant 0 : i32
        %dma_start3A_301 = tpu.memref_slice %arg4[%dma_start3A_291, %dma_start3A_299, %dma_start3A_300] : memref<2x64x256xf32, #tpu.memory_space<vmem>> -> memref<1x64x256xf32, #tpu.memory_space<vmem>>
        %dma_start3A_302 = tpu.memref_squeeze %dma_start3A_301 : memref<1x64x256xf32, #tpu.memory_space<vmem>> -> memref<64x256xf32, #tpu.memory_space<vmem>>
        %dma_start3A_303 = arith.constant 0 : i32
        %dma_start3A_304 = tpu.memref_slice %arg2[%add3A_271, %dma_start3A_290, %mul3A_289, %dma_start3A_303] : memref<256x1x256x256xf32, #tpu.memory_space<hbm>> -> memref<1x1x64x256xf32, #tpu.memory_space<hbm>>
        %dma_start3A_305 = tpu.memref_squeeze %dma_start3A_304 : memref<1x1x64x256xf32, #tpu.memory_space<hbm>> -> memref<64x256xf32, #tpu.memory_space<hbm>>
        tpu.enqueue_dma source(%dma_start3A_305 : memref<64x256xf32, #tpu.memory_space<hbm>>) target(%dma_start3A_302 : memref<64x256xf32, #tpu.memory_space<vmem>>) target_semaphore(%arg6 : memref<!tpu.dma_semaphore, #tpu.memory_space<semaphore_mem>>)
      } else {
      }
      %jit3A_159 = arith.constant 4 : i32
      %div3A_160 = arith.divsi %add3A_40, %jit3A_159 : i32
      %sign3A_161 = arith.constant 0 : i32
      %sign3A_162 = arith.cmpi sgt, %add3A_40, %sign3A_161 : i32
      %sign3A_163 = arith.extui %sign3A_162 : i1 to i32
      %sign3A_164 = arith.constant 0 : i32
      %sign3A_165 = arith.cmpi slt, %add3A_40, %sign3A_164 : i32
      %sign3A_166 = arith.extui %sign3A_165 : i1 to i32
      %sign3A_167 = arith.subi %sign3A_163, %sign3A_166 : i32
      %sign3A_168 = arith.constant 0 : i32
      %sign3A_169 = arith.cmpi sgt, %jit3A_159, %sign3A_168 : i32
      %sign3A_170 = arith.extui %sign3A_169 : i1 to i32
      %sign3A_171 = arith.constant 0 : i32
      %sign3A_172 = arith.cmpi slt, %jit3A_159, %sign3A_171 : i32
      %sign3A_173 = arith.extui %sign3A_172 : i1 to i32
      %sign3A_174 = arith.subi %sign3A_170, %sign3A_173 : i32
      %ne3A_175 = arith.cmpi ne, %sign3A_167, %sign3A_174 : i32
      %rem3A_176 = arith.remsi %add3A_40, %jit3A_159 : i32
      %ne3A_177 = arith.constant 0 : i32
      %ne3A_178 = arith.cmpi ne, %rem3A_176, %ne3A_177 : i32
      %and3A_179 = arith.andi %ne3A_175, %ne3A_178 : i1
      %sub3A_180 = arith.constant 1 : i32
      %sub3A_181 = arith.subi %div3A_160, %sub3A_180 : i32
      %select_n3A_182 = arith.select %and3A_179, %sub3A_181, %div3A_160 : i32
      %add3A_183 = arith.addi %mul3A_5, %select_n3A_182 : i32
      %jit3A_184 = arith.constant 4 : i32
      %eq3A_185 = arith.constant 0 : i32
      %eq3A_186 = arith.cmpi eq, %jit3A_184, %eq3A_185 : i32
      %jit3A_187 = arith.constant 1 : i32
      %select_n3A_188 = arith.select %eq3A_186, %jit3A_187, %jit3A_184 : i32
      %rem3A_189 = arith.remsi %add3A_40, %select_n3A_188 : i32
      %ne3A_190 = arith.constant 0 : i32
      %ne3A_191 = arith.cmpi ne, %rem3A_189, %ne3A_190 : i32
      %lt3A_192 = arith.constant 0 : i32
      %lt3A_193 = arith.cmpi slt, %rem3A_189, %lt3A_192 : i32
      %lt3A_194 = arith.constant 0 : i32
      %lt3A_195 = arith.cmpi slt, %select_n3A_188, %lt3A_194 : i32
      %ne3A_196 = arith.xori %lt3A_193, %lt3A_195 : i1
      %and3A_197 = arith.andi %ne3A_196, %ne3A_191 : i1
      %add3A_198 = arith.addi %rem3A_189, %select_n3A_188 : i32
      %select_n3A_199 = arith.select %and3A_197, %add3A_198, %rem3A_189 : i32
      %mul3A_200 = arith.constant 64 : i32
      %mul3A_201 = arith.muli %select_n3A_199, %mul3A_200 : i32
      %dma_wait3A_202 = arith.constant 0 : i32
      %dma_wait3A_203 = arith.constant 1 : i32
      %dma_wait3A_204 = arith.constant 0 : i32
      %dma_wait3A_205 = arith.constant 0 : i32
      %dma_wait3A_206 = tpu.memref_slice %arg4[%dma_wait3A_203, %dma_wait3A_204, %dma_wait3A_205] : memref<2x64x256xf32, #tpu.memory_space<vmem>> -> memref<1x64x256xf32, #tpu.memory_space<vmem>>
      %dma_wait3A_207 = tpu.memref_squeeze %dma_wait3A_206 : memref<1x64x256xf32, #tpu.memory_space<vmem>> -> memref<64x256xf32, #tpu.memory_space<vmem>>
      %dma_wait3A_208 = arith.constant 0 : i32
      %dma_wait3A_209 = tpu.memref_slice %arg2[%add3A_183, %dma_wait3A_202, %mul3A_201, %dma_wait3A_208] : memref<256x1x256x256xf32, #tpu.memory_space<hbm>> -> memref<1x1x64x256xf32, #tpu.memory_space<hbm>>
      %dma_wait3A_210 = tpu.memref_squeeze %dma_wait3A_209 : memref<1x1x64x256xf32, #tpu.memory_space<hbm>> -> memref<64x256xf32, #tpu.memory_space<hbm>>
      %dma_wait3A_211 = arith.constant 0 : i32
      %dma_wait3A_212 = arith.constant 0 : i32
      %dma_wait3A_213 = tpu.memref_slice %arg4[%dma_wait3A_203, %dma_wait3A_211, %dma_wait3A_212] : memref<2x64x256xf32, #tpu.memory_space<vmem>> -> memref<1x64x256xf32, #tpu.memory_space<vmem>>
      %dma_wait3A_214 = tpu.memref_squeeze %dma_wait3A_213 : memref<1x64x256xf32, #tpu.memory_space<vmem>> -> memref<64x256xf32, #tpu.memory_space<vmem>>
      %dma_wait3A_215 = arith.constant 0 : i32
      %dma_wait3A_216 = tpu.memref_slice %arg2[%add3A_183, %dma_wait3A_202, %mul3A_201, %dma_wait3A_215] : memref<256x1x256x256xf32, #tpu.memory_space<hbm>> -> memref<1x1x64x256xf32, #tpu.memory_space<hbm>>
      %dma_wait3A_217 = tpu.memref_squeeze %dma_wait3A_216 : memref<1x1x64x256xf32, #tpu.memory_space<hbm>> -> memref<64x256xf32, #tpu.memory_space<hbm>>
      tpu.wait_dma2 semaphore(%arg7 : memref<!tpu.dma_semaphore, #tpu.memory_space<semaphore_mem>>) src(%dma_wait3A_217 : memref<64x256xf32, #tpu.memory_space<hbm>>) dst(%dma_wait3A_214 : memref<64x256xf32, #tpu.memory_space<vmem>>)
      %scan3A_218 = arith.constant 0 : i32
      %scan3A_219 = arith.constant 0 : i32
      %scan3A_220 = arith.constant 32 : i32
      %scan3A_221 = arith.addi %scan3A_219, %scan3A_220 : i32
      %scan3A_222 = arith.constant 1 : i32
      scf.for %scan3A_245 = %scan3A_219 to %scan3A_221 step %scan3A_222  : i32 {
        %mul3A_246 = arith.constant 2 : i32
        %mul3A_247 = arith.muli %mul3A_246, %scan3A_245 : i32
        %add3A_248 = arith.constant 0 : i32
        %add3A_249 = arith.addi %mul3A_247, %add3A_248 : i32
        %get3A = arith.constant 1 : i32
        %get3A_250 = arith.index_cast %get3A : i32 to index
        %get3A_251 = arith.index_cast %add3A_249 : i32 to index
        %get3A_252 = arith.constant 0 : index
        %get3A_253 = tpu.vector_load %arg4[%get3A_250, %get3A_251, %get3A_252] {strides = array<i32>} : memref<2x64x256xf32, #tpu.memory_space<vmem>>, vector<16xf32>,
        %mul3A_254 = arith.constant 2 : i32
        %mul3A_255 = arith.muli %mul3A_254, %scan3A_245 : i32
        %add3A_256 = arith.constant 0 : i32
        %add3A_257 = arith.addi %mul3A_255, %add3A_256 : i32
        %get3A_258 = arith.constant 1 : i32
        %get3A_259 = arith.index_cast %get3A_258 : i32 to index
        %get3A_260 = arith.index_cast %add3A_257 : i32 to index
        %get3A_261 = arith.constant 16 : index
        %get3A_262 = tpu.vector_load %arg4[%get3A_259, %get3A_260, %get3A_261] {strides = array<i32>} : memref<2x64x256xf32, #tpu.memory_space<vmem>>, vector<16xf32>,
        %mul3A_263 = arith.constant 2 : i32
        %mul3A_264 = arith.muli %mul3A_263, %scan3A_245 : i32
        %add3A_265 = arith.constant 0 : i32
        %add3A_266 = arith.addi %mul3A_264, %add3A_265 : i32
        %get3A_267 = arith.constant 1 : i32
        %get3A_268 = arith.index_cast %get3A_267 : i32 to index
        %get3A_269 = arith.index_cast %add3A_266 : i32 to index
        %get3A_270 = arith.constant 32 : index
        %get3A_271 = tpu.vector_load %arg4[%get3A_268, %get3A_269, %get3A_270] {strides = array<i32>} : memref<2x64x256xf32, #tpu.memory_space<vmem>>, vector<16xf32>,
        %mul3A_272 = arith.constant 2 : i32
        %mul3A_273 = arith.muli %mul3A_272, %scan3A_245 : i32
        %add3A_274 = arith.constant 0 : i32
        %add3A_275 = arith.addi %mul3A_273, %add3A_274 : i32
        %get3A_276 = arith.constant 1 : i32
        %get3A_277 = arith.index_cast %get3A_276 : i32 to index
        %get3A_278 = arith.index_cast %add3A_275 : i32 to index
        %get3A_279 = arith.constant 48 : index
        %get3A_280 = tpu.vector_load %arg4[%get3A_277, %get3A_278, %get3A_279] {strides = array<i32>} : memref<2x64x256xf32, #tpu.memory_space<vmem>>, vector<16xf32>,
        %mul3A_281 = arith.constant 2 : i32
        %mul3A_282 = arith.muli %mul3A_281, %scan3A_245 : i32
        %add3A_283 = arith.constant 0 : i32
        %add3A_284 = arith.addi %mul3A_282, %add3A_283 : i32
        %get3A_285 = arith.constant 1 : i32
        %get3A_286 = arith.index_cast %get3A_285 : i32 to index
        %get3A_287 = arith.index_cast %add3A_284 : i32 to index
        %get3A_288 = arith.constant 64 : index
        %get3A_289 = tpu.vector_load %arg4[%get3A_286, %get3A_287, %get3A_288] {strides = array<i32>} : memref<2x64x256xf32, #tpu.memory_space<vmem>>, vector<16xf32>,
        %mul3A_290 = arith.constant 2 : i32
        %mul3A_291 = arith.muli %mul3A_290, %scan3A_245 : i32
        %add3A_292 = arith.constant 0 : i32
        %add3A_293 = arith.addi %mul3A_291, %add3A_292 : i32
        %get3A_294 = arith.constant 1 : i32
        %get3A_295 = arith.index_cast %get3A_294 : i32 to index
        %get3A_296 = arith.index_cast %add3A_293 : i32 to index
        %get3A_297 = arith.constant 80 : index
        %get3A_298 = tpu.vector_load %arg4[%get3A_295, %get3A_296, %get3A_297] {strides = array<i32>} : memref<2x64x256xf32, #tpu.memory_space<vmem>>, vector<16xf32>,
        %mul3A_299 = arith.constant 2 : i32
        %mul3A_300 = arith.muli %mul3A_299, %scan3A_245 : i32
        %add3A_301 = arith.constant 0 : i32
        %add3A_302 = arith.addi %mul3A_300, %add3A_301 : i32
        %get3A_303 = arith.constant 1 : i32
        %get3A_304 = arith.index_cast %get3A_303 : i32 to index
        %get3A_305 = arith.index_cast %add3A_302 : i32 to index
        %get3A_306 = arith.constant 96 : index
        %get3A_307 = tpu.vector_load %arg4[%get3A_304, %get3A_305, %get3A_306] {strides = array<i32>} : memref<2x64x256xf32, #tpu.memory_space<vmem>>, vector<16xf32>,
        %mul3A_308 = arith.constant 2 : i32
        %mul3A_309 = arith.muli %mul3A_308, %scan3A_245 : i32
        %add3A_310 = arith.constant 0 : i32
        %add3A_311 = arith.addi %mul3A_309, %add3A_310 : i32
        %get3A_312 = arith.constant 1 : i32
        %get3A_313 = arith.index_cast %get3A_312 : i32 to index
        %get3A_314 = arith.index_cast %add3A_311 : i32 to index
        %get3A_315 = arith.constant 112 : index
        %get3A_316 = tpu.vector_load %arg4[%get3A_313, %get3A_314, %get3A_315] {strides = array<i32>} : memref<2x64x256xf32, #tpu.memory_space<vmem>>, vector<16xf32>,
        %mul3A_317 = arith.constant 2 : i32
        %mul3A_318 = arith.muli %mul3A_317, %scan3A_245 : i32
        %add3A_319 = arith.constant 0 : i32
        %add3A_320 = arith.addi %mul3A_318, %add3A_319 : i32
        %get3A_321 = arith.constant 1 : i32
        %get3A_322 = arith.index_cast %get3A_321 : i32 to index
        %get3A_323 = arith.index_cast %add3A_320 : i32 to index
        %get3A_324 = arith.constant 128 : index
        %get3A_325 = tpu.vector_load %arg4[%get3A_322, %get3A_323, %get3A_324] {strides = array<i32>} : memref<2x64x256xf32, #tpu.memory_space<vmem>>, vector<16xf32>,
        %mul3A_326 = arith.constant 2 : i32
        %mul3A_327 = arith.muli %mul3A_326, %scan3A_245 : i32
        %add3A_328 = arith.constant 0 : i32
        %add3A_329 = arith.addi %mul3A_327, %add3A_328 : i32
        %get3A_330 = arith.constant 1 : i32
        %get3A_331 = arith.index_cast %get3A_330 : i32 to index
        %get3A_332 = arith.index_cast %add3A_329 : i32 to index
        %get3A_333 = arith.constant 144 : index
        %get3A_334 = tpu.vector_load %arg4[%get3A_331, %get3A_332, %get3A_333] {strides = array<i32>} : memref<2x64x256xf32, #tpu.memory_space<vmem>>, vector<16xf32>,
        %mul3A_335 = arith.constant 2 : i32
        %mul3A_336 = arith.muli %mul3A_335, %scan3A_245 : i32
        %add3A_337 = arith.constant 0 : i32
        %add3A_338 = arith.addi %mul3A_336, %add3A_337 : i32
        %get3A_339 = arith.constant 1 : i32
        %get3A_340 = arith.index_cast %get3A_339 : i32 to index
        %get3A_341 = arith.index_cast %add3A_338 : i32 to index
        %get3A_342 = arith.constant 160 : index
        %get3A_343 = tpu.vector_load %arg4[%get3A_340, %get3A_341, %get3A_342] {strides = array<i32>} : memref<2x64x256xf32, #tpu.memory_space<vmem>>, vector<16xf32>,
        %mul3A_344 = arith.constant 2 : i32
        %mul3A_345 = arith.muli %mul3A_344, %scan3A_245 : i32
        %add3A_346 = arith.constant 0 : i32
        %add3A_347 = arith.addi %mul3A_345, %add3A_346 : i32
        %get3A_348 = arith.constant 1 : i32
        %get3A_349 = arith.index_cast %get3A_348 : i32 to index
        %get3A_350 = arith.index_cast %add3A_347 : i32 to index
        %get3A_351 = arith.constant 176 : index
        %get3A_352 = tpu.vector_load %arg4[%get3A_349, %get3A_350, %get3A_351] {strides = array<i32>} : memref<2x64x256xf32, #tpu.memory_space<vmem>>, vector<16xf32>,
        %mul3A_353 = arith.constant 2 : i32
        %mul3A_354 = arith.muli %mul3A_353, %scan3A_245 : i32
        %add3A_355 = arith.constant 0 : i32
        %add3A_356 = arith.addi %mul3A_354, %add3A_355 : i32
        %get3A_357 = arith.constant 1 : i32
        %get3A_358 = arith.index_cast %get3A_357 : i32 to index
        %get3A_359 = arith.index_cast %add3A_356 : i32 to index
        %get3A_360 = arith.constant 192 : index
        %get3A_361 = tpu.vector_load %arg4[%get3A_358, %get3A_359, %get3A_360] {strides = array<i32>} : memref<2x64x256xf32, #tpu.memory_space<vmem>>, vector<16xf32>,
        %mul3A_362 = arith.constant 2 : i32
        %mul3A_363 = arith.muli %mul3A_362, %scan3A_245 : i32
        %add3A_364 = arith.constant 0 : i32
        %add3A_365 = arith.addi %mul3A_363, %add3A_364 : i32
        %get3A_366 = arith.constant 1 : i32
        %get3A_367 = arith.index_cast %get3A_366 : i32 to index
        %get3A_368 = arith.index_cast %add3A_365 : i32 to index
        %get3A_369 = arith.constant 208 : index
        %get3A_370 = tpu.vector_load %arg4[%get3A_367, %get3A_368, %get3A_369] {strides = array<i32>} : memref<2x64x256xf32, #tpu.memory_space<vmem>>, vector<16xf32>,
        %mul3A_371 = arith.constant 2 : i32
        %mul3A_372 = arith.muli %mul3A_371, %scan3A_245 : i32
        %add3A_373 = arith.constant 0 : i32
        %add3A_374 = arith.addi %mul3A_372, %add3A_373 : i32
        %get3A_375 = arith.constant 1 : i32
        %get3A_376 = arith.index_cast %get3A_375 : i32 to index
        %get3A_377 = arith.index_cast %add3A_374 : i32 to index
        %get3A_378 = arith.constant 224 : index
        %get3A_379 = tpu.vector_load %arg4[%get3A_376, %get3A_377, %get3A_378] {strides = array<i32>} : memref<2x64x256xf32, #tpu.memory_space<vmem>>, vector<16xf32>,
        %mul3A_380 = arith.constant 2 : i32
        %mul3A_381 = arith.muli %mul3A_380, %scan3A_245 : i32
        %add3A_382 = arith.constant 0 : i32
        %add3A_383 = arith.addi %mul3A_381, %add3A_382 : i32
        %get3A_384 = arith.constant 1 : i32
        %get3A_385 = arith.index_cast %get3A_384 : i32 to index
        %get3A_386 = arith.index_cast %add3A_383 : i32 to index
        %get3A_387 = arith.constant 240 : index
        %get3A_388 = tpu.vector_load %arg4[%get3A_385, %get3A_386, %get3A_387] {strides = array<i32>} : memref<2x64x256xf32, #tpu.memory_space<vmem>>, vector<16xf32>,
        %mul3A_389 = arith.constant 2 : i32
        %mul3A_390 = arith.muli %mul3A_389, %scan3A_245 : i32
        %add3A_391 = arith.constant 1 : i32
        %add3A_392 = arith.addi %mul3A_390, %add3A_391 : i32
        %get3A_393 = arith.constant 1 : i32
        %get3A_394 = arith.index_cast %get3A_393 : i32 to index
        %get3A_395 = arith.index_cast %add3A_392 : i32 to index
        %get3A_396 = arith.constant 0 : index
        %get3A_397 = tpu.vector_load %arg4[%get3A_394, %get3A_395, %get3A_396] {strides = array<i32>} : memref<2x64x256xf32, #tpu.memory_space<vmem>>, vector<16xf32>,
        %mul3A_398 = arith.constant 2 : i32
        %mul3A_399 = arith.muli %mul3A_398, %scan3A_245 : i32
        %add3A_400 = arith.constant 1 : i32
        %add3A_401 = arith.addi %mul3A_399, %add3A_400 : i32
        %get3A_402 = arith.constant 1 : i32
        %get3A_403 = arith.index_cast %get3A_402 : i32 to index
        %get3A_404 = arith.index_cast %add3A_401 : i32 to index
        %get3A_405 = arith.constant 16 : index
        %get3A_406 = tpu.vector_load %arg4[%get3A_403, %get3A_404, %get3A_405] {strides = array<i32>} : memref<2x64x256xf32, #tpu.memory_space<vmem>>, vector<16xf32>,
        %mul3A_407 = arith.constant 2 : i32
        %mul3A_408 = arith.muli %mul3A_407, %scan3A_245 : i32
        %add3A_409 = arith.constant 1 : i32
        %add3A_410 = arith.addi %mul3A_408, %add3A_409 : i32
        %get3A_411 = arith.constant 1 : i32
        %get3A_412 = arith.index_cast %get3A_411 : i32 to index
        %get3A_413 = arith.index_cast %add3A_410 : i32 to index
        %get3A_414 = arith.constant 32 : index
        %get3A_415 = tpu.vector_load %arg4[%get3A_412, %get3A_413, %get3A_414] {strides = array<i32>} : memref<2x64x256xf32, #tpu.memory_space<vmem>>, vector<16xf32>,
        %mul3A_416 = arith.constant 2 : i32
        %mul3A_417 = arith.muli %mul3A_416, %scan3A_245 : i32
        %add3A_418 = arith.constant 1 : i32
        %add3A_419 = arith.addi %mul3A_417, %add3A_418 : i32
        %get3A_420 = arith.constant 1 : i32
        %get3A_421 = arith.index_cast %get3A_420 : i32 to index
        %get3A_422 = arith.index_cast %add3A_419 : i32 to index
        %get3A_423 = arith.constant 48 : index
        %get3A_424 = tpu.vector_load %arg4[%get3A_421, %get3A_422, %get3A_423] {strides = array<i32>} : memref<2x64x256xf32, #tpu.memory_space<vmem>>, vector<16xf32>,
        %mul3A_425 = arith.constant 2 : i32
        %mul3A_426 = arith.muli %mul3A_425, %scan3A_245 : i32
        %add3A_427 = arith.constant 1 : i32
        %add3A_428 = arith.addi %mul3A_426, %add3A_427 : i32
        %get3A_429 = arith.constant 1 : i32
        %get3A_430 = arith.index_cast %get3A_429 : i32 to index
        %get3A_431 = arith.index_cast %add3A_428 : i32 to index
        %get3A_432 = arith.constant 64 : index
        %get3A_433 = tpu.vector_load %arg4[%get3A_430, %get3A_431, %get3A_432] {strides = array<i32>} : memref<2x64x256xf32, #tpu.memory_space<vmem>>, vector<16xf32>,
        %mul3A_434 = arith.constant 2 : i32
        %mul3A_435 = arith.muli %mul3A_434, %scan3A_245 : i32
        %add3A_436 = arith.constant 1 : i32
        %add3A_437 = arith.addi %mul3A_435, %add3A_436 : i32
        %get3A_438 = arith.constant 1 : i32
        %get3A_439 = arith.index_cast %get3A_438 : i32 to index
        %get3A_440 = arith.index_cast %add3A_437 : i32 to index
        %get3A_441 = arith.constant 80 : index
        %get3A_442 = tpu.vector_load %arg4[%get3A_439, %get3A_440, %get3A_441] {strides = array<i32>} : memref<2x64x256xf32, #tpu.memory_space<vmem>>, vector<16xf32>,
        %mul3A_443 = arith.constant 2 : i32
        %mul3A_444 = arith.muli %mul3A_443, %scan3A_245 : i32
        %add3A_445 = arith.constant 1 : i32
        %add3A_446 = arith.addi %mul3A_444, %add3A_445 : i32
        %get3A_447 = arith.constant 1 : i32
        %get3A_448 = arith.index_cast %get3A_447 : i32 to index
        %get3A_449 = arith.index_cast %add3A_446 : i32 to index
        %get3A_450 = arith.constant 96 : index
        %get3A_451 = tpu.vector_load %arg4[%get3A_448, %get3A_449, %get3A_450] {strides = array<i32>} : memref<2x64x256xf32, #tpu.memory_space<vmem>>, vector<16xf32>,
        %mul3A_452 = arith.constant 2 : i32
        %mul3A_453 = arith.muli %mul3A_452, %scan3A_245 : i32
        %add3A_454 = arith.constant 1 : i32
        %add3A_455 = arith.addi %mul3A_453, %add3A_454 : i32
        %get3A_456 = arith.constant 1 : i32
        %get3A_457 = arith.index_cast %get3A_456 : i32 to index
        %get3A_458 = arith.index_cast %add3A_455 : i32 to index
        %get3A_459 = arith.constant 112 : index
        %get3A_460 = tpu.vector_load %arg4[%get3A_457, %get3A_458, %get3A_459] {strides = array<i32>} : memref<2x64x256xf32, #tpu.memory_space<vmem>>, vector<16xf32>,
        %mul3A_461 = arith.constant 2 : i32
        %mul3A_462 = arith.muli %mul3A_461, %scan3A_245 : i32
        %add3A_463 = arith.constant 1 : i32
        %add3A_464 = arith.addi %mul3A_462, %add3A_463 : i32
        %get3A_465 = arith.constant 1 : i32
        %get3A_466 = arith.index_cast %get3A_465 : i32 to index
        %get3A_467 = arith.index_cast %add3A_464 : i32 to index
        %get3A_468 = arith.constant 128 : index
        %get3A_469 = tpu.vector_load %arg4[%get3A_466, %get3A_467, %get3A_468] {strides = array<i32>} : memref<2x64x256xf32, #tpu.memory_space<vmem>>, vector<16xf32>,
        %mul3A_470 = arith.constant 2 : i32
        %mul3A_471 = arith.muli %mul3A_470, %scan3A_245 : i32
        %add3A_472 = arith.constant 1 : i32
        %add3A_473 = arith.addi %mul3A_471, %add3A_472 : i32
        %get3A_474 = arith.constant 1 : i32
        %get3A_475 = arith.index_cast %get3A_474 : i32 to index
        %get3A_476 = arith.index_cast %add3A_473 : i32 to index
        %get3A_477 = arith.constant 144 : index
        %get3A_478 = tpu.vector_load %arg4[%get3A_475, %get3A_476, %get3A_477] {strides = array<i32>} : memref<2x64x256xf32, #tpu.memory_space<vmem>>, vector<16xf32>,
        %mul3A_479 = arith.constant 2 : i32
        %mul3A_480 = arith.muli %mul3A_479, %scan3A_245 : i32
        %add3A_481 = arith.constant 1 : i32
        %add3A_482 = arith.addi %mul3A_480, %add3A_481 : i32
        %get3A_483 = arith.constant 1 : i32
        %get3A_484 = arith.index_cast %get3A_483 : i32 to index
        %get3A_485 = arith.index_cast %add3A_482 : i32 to index
        %get3A_486 = arith.constant 160 : index
        %get3A_487 = tpu.vector_load %arg4[%get3A_484, %get3A_485, %get3A_486] {strides = array<i32>} : memref<2x64x256xf32, #tpu.memory_space<vmem>>, vector<16xf32>,
        %mul3A_488 = arith.constant 2 : i32
        %mul3A_489 = arith.muli %mul3A_488, %scan3A_245 : i32
        %add3A_490 = arith.constant 1 : i32
        %add3A_491 = arith.addi %mul3A_489, %add3A_490 : i32
        %get3A_492 = arith.constant 1 : i32
        %get3A_493 = arith.index_cast %get3A_492 : i32 to index
        %get3A_494 = arith.index_cast %add3A_491 : i32 to index
        %get3A_495 = arith.constant 176 : index
        %get3A_496 = tpu.vector_load %arg4[%get3A_493, %get3A_494, %get3A_495] {strides = array<i32>} : memref<2x64x256xf32, #tpu.memory_space<vmem>>, vector<16xf32>,
        %mul3A_497 = arith.constant 2 : i32
        %mul3A_498 = arith.muli %mul3A_497, %scan3A_245 : i32
        %add3A_499 = arith.constant 1 : i32
        %add3A_500 = arith.addi %mul3A_498, %add3A_499 : i32
        %get3A_501 = arith.constant 1 : i32
        %get3A_502 = arith.index_cast %get3A_501 : i32 to index
        %get3A_503 = arith.index_cast %add3A_500 : i32 to index
        %get3A_504 = arith.constant 192 : index
        %get3A_505 = tpu.vector_load %arg4[%get3A_502, %get3A_503, %get3A_504] {strides = array<i32>} : memref<2x64x256xf32, #tpu.memory_space<vmem>>, vector<16xf32>,
        %mul3A_506 = arith.constant 2 : i32
        %mul3A_507 = arith.muli %mul3A_506, %scan3A_245 : i32
        %add3A_508 = arith.constant 1 : i32
        %add3A_509 = arith.addi %mul3A_507, %add3A_508 : i32
        %get3A_510 = arith.constant 1 : i32
        %get3A_511 = arith.index_cast %get3A_510 : i32 to index
        %get3A_512 = arith.index_cast %add3A_509 : i32 to index
        %get3A_513 = arith.constant 208 : index
        %get3A_514 = tpu.vector_load %arg4[%get3A_511, %get3A_512, %get3A_513] {strides = array<i32>} : memref<2x64x256xf32, #tpu.memory_space<vmem>>, vector<16xf32>,
        %mul3A_515 = arith.constant 2 : i32
        %mul3A_516 = arith.muli %mul3A_515, %scan3A_245 : i32
        %add3A_517 = arith.constant 1 : i32
        %add3A_518 = arith.addi %mul3A_516, %add3A_517 : i32
        %get3A_519 = arith.constant 1 : i32
        %get3A_520 = arith.index_cast %get3A_519 : i32 to index
        %get3A_521 = arith.index_cast %add3A_518 : i32 to index
        %get3A_522 = arith.constant 224 : index
        %get3A_523 = tpu.vector_load %arg4[%get3A_520, %get3A_521, %get3A_522] {strides = array<i32>} : memref<2x64x256xf32, #tpu.memory_space<vmem>>, vector<16xf32>,
        %mul3A_524 = arith.constant 2 : i32
        %mul3A_525 = arith.muli %mul3A_524, %scan3A_245 : i32
        %add3A_526 = arith.constant 1 : i32
        %add3A_527 = arith.addi %mul3A_525, %add3A_526 : i32
        %get3A_528 = arith.constant 1 : i32
        %get3A_529 = arith.index_cast %get3A_528 : i32 to index
        %get3A_530 = arith.index_cast %add3A_527 : i32 to index
        %get3A_531 = arith.constant 240 : index
        %get3A_532 = tpu.vector_load %arg4[%get3A_529, %get3A_530, %get3A_531] {strides = array<i32>} : memref<2x64x256xf32, #tpu.memory_space<vmem>>, vector<16xf32>,
        %mul3A_533 = arith.constant 2.550000e+02 : f32
        %mul3A_534 = vector.broadcast %mul3A_533 : f32 to vector<16xf32>
        %mul3A_535 = arith.mulf %get3A_253, %mul3A_534 : vector<16xf32>
        %convert_element_type3A_536 = arith.fptosi %mul3A_535 : vector<16xf32> to vector<16xi32>
        %mul3A_537 = arith.constant 2.550000e+02 : f32
        %mul3A_538 = vector.broadcast %mul3A_537 : f32 to vector<16xf32>
        %mul3A_539 = arith.mulf %get3A_262, %mul3A_538 : vector<16xf32>
        %convert_element_type3A_540 = arith.fptosi %mul3A_539 : vector<16xf32> to vector<16xi32>
        %mul3A_541 = arith.constant 2.550000e+02 : f32
        %mul3A_542 = vector.broadcast %mul3A_541 : f32 to vector<16xf32>
        %mul3A_543 = arith.mulf %get3A_271, %mul3A_542 : vector<16xf32>
        %convert_element_type3A_544 = arith.fptosi %mul3A_543 : vector<16xf32> to vector<16xi32>
        %mul3A_545 = arith.constant 2.550000e+02 : f32
        %mul3A_546 = vector.broadcast %mul3A_545 : f32 to vector<16xf32>
        %mul3A_547 = arith.mulf %get3A_280, %mul3A_546 : vector<16xf32>
        %convert_element_type3A_548 = arith.fptosi %mul3A_547 : vector<16xf32> to vector<16xi32>
        %mul3A_549 = arith.constant 2.550000e+02 : f32
        %mul3A_550 = vector.broadcast %mul3A_549 : f32 to vector<16xf32>
        %mul3A_551 = arith.mulf %get3A_289, %mul3A_550 : vector<16xf32>
        %convert_element_type3A_552 = arith.fptosi %mul3A_551 : vector<16xf32> to vector<16xi32>
        %mul3A_553 = arith.constant 2.550000e+02 : f32
        %mul3A_554 = vector.broadcast %mul3A_553 : f32 to vector<16xf32>
        %mul3A_555 = arith.mulf %get3A_298, %mul3A_554 : vector<16xf32>
        %convert_element_type3A_556 = arith.fptosi %mul3A_555 : vector<16xf32> to vector<16xi32>
        %mul3A_557 = arith.constant 2.550000e+02 : f32
        %mul3A_558 = vector.broadcast %mul3A_557 : f32 to vector<16xf32>
        %mul3A_559 = arith.mulf %get3A_307, %mul3A_558 : vector<16xf32>
        %convert_element_type3A_560 = arith.fptosi %mul3A_559 : vector<16xf32> to vector<16xi32>
        %mul3A_561 = arith.constant 2.550000e+02 : f32
        %mul3A_562 = vector.broadcast %mul3A_561 : f32 to vector<16xf32>
        %mul3A_563 = arith.mulf %get3A_316, %mul3A_562 : vector<16xf32>
        %convert_element_type3A_564 = arith.fptosi %mul3A_563 : vector<16xf32> to vector<16xi32>
        %mul3A_565 = arith.constant 2.550000e+02 : f32
        %mul3A_566 = vector.broadcast %mul3A_565 : f32 to vector<16xf32>
        %mul3A_567 = arith.mulf %get3A_325, %mul3A_566 : vector<16xf32>
        %convert_element_type3A_568 = arith.fptosi %mul3A_567 : vector<16xf32> to vector<16xi32>
        %mul3A_569 = arith.constant 2.550000e+02 : f32
        %mul3A_570 = vector.broadcast %mul3A_569 : f32 to vector<16xf32>
        %mul3A_571 = arith.mulf %get3A_334, %mul3A_570 : vector<16xf32>
        %convert_element_type3A_572 = arith.fptosi %mul3A_571 : vector<16xf32> to vector<16xi32>
        %mul3A_573 = arith.constant 2.550000e+02 : f32
        %mul3A_574 = vector.broadcast %mul3A_573 : f32 to vector<16xf32>
        %mul3A_575 = arith.mulf %get3A_343, %mul3A_574 : vector<16xf32>
        %convert_element_type3A_576 = arith.fptosi %mul3A_575 : vector<16xf32> to vector<16xi32>
        %mul3A_577 = arith.constant 2.550000e+02 : f32
        %mul3A_578 = vector.broadcast %mul3A_577 : f32 to vector<16xf32>
        %mul3A_579 = arith.mulf %get3A_352, %mul3A_578 : vector<16xf32>
        %convert_element_type3A_580 = arith.fptosi %mul3A_579 : vector<16xf32> to vector<16xi32>
        %mul3A_581 = arith.constant 2.550000e+02 : f32
        %mul3A_582 = vector.broadcast %mul3A_581 : f32 to vector<16xf32>
        %mul3A_583 = arith.mulf %get3A_361, %mul3A_582 : vector<16xf32>
        %convert_element_type3A_584 = arith.fptosi %mul3A_583 : vector<16xf32> to vector<16xi32>
        %mul3A_585 = arith.constant 2.550000e+02 : f32
        %mul3A_586 = vector.broadcast %mul3A_585 : f32 to vector<16xf32>
        %mul3A_587 = arith.mulf %get3A_370, %mul3A_586 : vector<16xf32>
        %convert_element_type3A_588 = arith.fptosi %mul3A_587 : vector<16xf32> to vector<16xi32>
        %mul3A_589 = arith.constant 2.550000e+02 : f32
        %mul3A_590 = vector.broadcast %mul3A_589 : f32 to vector<16xf32>
        %mul3A_591 = arith.mulf %get3A_379, %mul3A_590 : vector<16xf32>
        %convert_element_type3A_592 = arith.fptosi %mul3A_591 : vector<16xf32> to vector<16xi32>
        %mul3A_593 = arith.constant 2.550000e+02 : f32
        %mul3A_594 = vector.broadcast %mul3A_593 : f32 to vector<16xf32>
        %mul3A_595 = arith.mulf %get3A_388, %mul3A_594 : vector<16xf32>
        %convert_element_type3A_596 = arith.fptosi %mul3A_595 : vector<16xf32> to vector<16xi32>
        %mul3A_597 = arith.constant 2.550000e+02 : f32
        %mul3A_598 = vector.broadcast %mul3A_597 : f32 to vector<16xf32>
        %mul3A_599 = arith.mulf %get3A_397, %mul3A_598 : vector<16xf32>
        %convert_element_type3A_600 = arith.fptosi %mul3A_599 : vector<16xf32> to vector<16xi32>
        %mul3A_601 = arith.constant 2.550000e+02 : f32
        %mul3A_602 = vector.broadcast %mul3A_601 : f32 to vector<16xf32>
        %mul3A_603 = arith.mulf %get3A_406, %mul3A_602 : vector<16xf32>
        %convert_element_type3A_604 = arith.fptosi %mul3A_603 : vector<16xf32> to vector<16xi32>
        %mul3A_605 = arith.constant 2.550000e+02 : f32
        %mul3A_606 = vector.broadcast %mul3A_605 : f32 to vector<16xf32>
        %mul3A_607 = arith.mulf %get3A_415, %mul3A_606 : vector<16xf32>
        %convert_element_type3A_608 = arith.fptosi %mul3A_607 : vector<16xf32> to vector<16xi32>
        %mul3A_609 = arith.constant 2.550000e+02 : f32
        %mul3A_610 = vector.broadcast %mul3A_609 : f32 to vector<16xf32>
        %mul3A_611 = arith.mulf %get3A_424, %mul3A_610 : vector<16xf32>
        %convert_element_type3A_612 = arith.fptosi %mul3A_611 : vector<16xf32> to vector<16xi32>
        %mul3A_613 = arith.constant 2.550000e+02 : f32
        %mul3A_614 = vector.broadcast %mul3A_613 : f32 to vector<16xf32>
        %mul3A_615 = arith.mulf %get3A_433, %mul3A_614 : vector<16xf32>
        %convert_element_type3A_616 = arith.fptosi %mul3A_615 : vector<16xf32> to vector<16xi32>
        %mul3A_617 = arith.constant 2.550000e+02 : f32
        %mul3A_618 = vector.broadcast %mul3A_617 : f32 to vector<16xf32>
        %mul3A_619 = arith.mulf %get3A_442, %mul3A_618 : vector<16xf32>
        %convert_element_type3A_620 = arith.fptosi %mul3A_619 : vector<16xf32> to vector<16xi32>
        %mul3A_621 = arith.constant 2.550000e+02 : f32
        %mul3A_622 = vector.broadcast %mul3A_621 : f32 to vector<16xf32>
        %mul3A_623 = arith.mulf %get3A_451, %mul3A_622 : vector<16xf32>
        %convert_element_type3A_624 = arith.fptosi %mul3A_623 : vector<16xf32> to vector<16xi32>
        %mul3A_625 = arith.constant 2.550000e+02 : f32
        %mul3A_626 = vector.broadcast %mul3A_625 : f32 to vector<16xf32>
        %mul3A_627 = arith.mulf %get3A_460, %mul3A_626 : vector<16xf32>
        %convert_element_type3A_628 = arith.fptosi %mul3A_627 : vector<16xf32> to vector<16xi32>
        %mul3A_629 = arith.constant 2.550000e+02 : f32
        %mul3A_630 = vector.broadcast %mul3A_629 : f32 to vector<16xf32>
        %mul3A_631 = arith.mulf %get3A_469, %mul3A_630 : vector<16xf32>
        %convert_element_type3A_632 = arith.fptosi %mul3A_631 : vector<16xf32> to vector<16xi32>
        %mul3A_633 = arith.constant 2.550000e+02 : f32
        %mul3A_634 = vector.broadcast %mul3A_633 : f32 to vector<16xf32>
        %mul3A_635 = arith.mulf %get3A_478, %mul3A_634 : vector<16xf32>
        %convert_element_type3A_636 = arith.fptosi %mul3A_635 : vector<16xf32> to vector<16xi32>
        %mul3A_637 = arith.constant 2.550000e+02 : f32
        %mul3A_638 = vector.broadcast %mul3A_637 : f32 to vector<16xf32>
        %mul3A_639 = arith.mulf %get3A_487, %mul3A_638 : vector<16xf32>
        %convert_element_type3A_640 = arith.fptosi %mul3A_639 : vector<16xf32> to vector<16xi32>
        %mul3A_641 = arith.constant 2.550000e+02 : f32
        %mul3A_642 = vector.broadcast %mul3A_641 : f32 to vector<16xf32>
        %mul3A_643 = arith.mulf %get3A_496, %mul3A_642 : vector<16xf32>
        %convert_element_type3A_644 = arith.fptosi %mul3A_643 : vector<16xf32> to vector<16xi32>
        %mul3A_645 = arith.constant 2.550000e+02 : f32
        %mul3A_646 = vector.broadcast %mul3A_645 : f32 to vector<16xf32>
        %mul3A_647 = arith.mulf %get3A_505, %mul3A_646 : vector<16xf32>
        %convert_element_type3A_648 = arith.fptosi %mul3A_647 : vector<16xf32> to vector<16xi32>
        %mul3A_649 = arith.constant 2.550000e+02 : f32
        %mul3A_650 = vector.broadcast %mul3A_649 : f32 to vector<16xf32>
        %mul3A_651 = arith.mulf %get3A_514, %mul3A_650 : vector<16xf32>
        %convert_element_type3A_652 = arith.fptosi %mul3A_651 : vector<16xf32> to vector<16xi32>
        %mul3A_653 = arith.constant 2.550000e+02 : f32
        %mul3A_654 = vector.broadcast %mul3A_653 : f32 to vector<16xf32>
        %mul3A_655 = arith.mulf %get3A_523, %mul3A_654 : vector<16xf32>
        %convert_element_type3A_656 = arith.fptosi %mul3A_655 : vector<16xf32> to vector<16xi32>
        %mul3A_657 = arith.constant 2.550000e+02 : f32
        %mul3A_658 = vector.broadcast %mul3A_657 : f32 to vector<16xf32>
        %mul3A_659 = arith.mulf %get3A_532, %mul3A_658 : vector<16xf32>
        %convert_element_type3A_660 = arith.fptosi %mul3A_659 : vector<16xf32> to vector<16xi32>
        tpu.vector_store_idx %arg5[%convert_element_type3A_536], %broadcast_in_dim3A_1 {add = true} : memref<256xf32, #tpu.memory_space<vmem>>[vector<16xi32>], vector<16xf32>,
        tpu.vector_store_idx %arg5[%convert_element_type3A_540], %broadcast_in_dim3A_1 {add = true} : memref<256xf32, #tpu.memory_space<vmem>>[vector<16xi32>], vector<16xf32>,
        tpu.vector_store_idx %arg5[%convert_element_type3A_544], %broadcast_in_dim3A_1 {add = true} : memref<256xf32, #tpu.memory_space<vmem>>[vector<16xi32>], vector<16xf32>,
        tpu.vector_store_idx %arg5[%convert_element_type3A_548], %broadcast_in_dim3A_1 {add = true} : memref<256xf32, #tpu.memory_space<vmem>>[vector<16xi32>], vector<16xf32>,
        tpu.vector_store_idx %arg5[%convert_element_type3A_552], %broadcast_in_dim3A_1 {add = true} : memref<256xf32, #tpu.memory_space<vmem>>[vector<16xi32>], vector<16xf32>,
        tpu.vector_store_idx %arg5[%convert_element_type3A_556], %broadcast_in_dim3A_1 {add = true} : memref<256xf32, #tpu.memory_space<vmem>>[vector<16xi32>], vector<16xf32>,
        tpu.vector_store_idx %arg5[%convert_element_type3A_560], %broadcast_in_dim3A_1 {add = true} : memref<256xf32, #tpu.memory_space<vmem>>[vector<16xi32>], vector<16xf32>,
        tpu.vector_store_idx %arg5[%convert_element_type3A_564], %broadcast_in_dim3A_1 {add = true} : memref<256xf32, #tpu.memory_space<vmem>>[vector<16xi32>], vector<16xf32>,
        tpu.vector_store_idx %arg5[%convert_element_type3A_568], %broadcast_in_dim3A_1 {add = true} : memref<256xf32, #tpu.memory_space<vmem>>[vector<16xi32>], vector<16xf32>,
        tpu.vector_store_idx %arg5[%convert_element_type3A_572], %broadcast_in_dim3A_1 {add = true} : memref<256xf32, #tpu.memory_space<vmem>>[vector<16xi32>], vector<16xf32>,
        tpu.vector_store_idx %arg5[%convert_element_type3A_576], %broadcast_in_dim3A_1 {add = true} : memref<256xf32, #tpu.memory_space<vmem>>[vector<16xi32>], vector<16xf32>,
        tpu.vector_store_idx %arg5[%convert_element_type3A_580], %broadcast_in_dim3A_1 {add = true} : memref<256xf32, #tpu.memory_space<vmem>>[vector<16xi32>], vector<16xf32>,
        tpu.vector_store_idx %arg5[%convert_element_type3A_584], %broadcast_in_dim3A_1 {add = true} : memref<256xf32, #tpu.memory_space<vmem>>[vector<16xi32>], vector<16xf32>,
        tpu.vector_store_idx %arg5[%convert_element_type3A_588], %broadcast_in_dim3A_1 {add = true} : memref<256xf32, #tpu.memory_space<vmem>>[vector<16xi32>], vector<16xf32>,
        tpu.vector_store_idx %arg5[%convert_element_type3A_592], %broadcast_in_dim3A_1 {add = true} : memref<256xf32, #tpu.memory_space<vmem>>[vector<16xi32>], vector<16xf32>,
        tpu.vector_store_idx %arg5[%convert_element_type3A_596], %broadcast_in_dim3A_1 {add = true} : memref<256xf32, #tpu.memory_space<vmem>>[vector<16xi32>], vector<16xf32>,
        tpu.vector_store_idx %arg5[%convert_element_type3A_600], %broadcast_in_dim3A_1 {add = true} : memref<256xf32, #tpu.memory_space<vmem>>[vector<16xi32>], vector<16xf32>,
        tpu.vector_store_idx %arg5[%convert_element_type3A_604], %broadcast_in_dim3A_1 {add = true} : memref<256xf32, #tpu.memory_space<vmem>>[vector<16xi32>], vector<16xf32>,
        tpu.vector_store_idx %arg5[%convert_element_type3A_608], %broadcast_in_dim3A_1 {add = true} : memref<256xf32, #tpu.memory_space<vmem>>[vector<16xi32>], vector<16xf32>,
        tpu.vector_store_idx %arg5[%convert_element_type3A_612], %broadcast_in_dim3A_1 {add = true} : memref<256xf32, #tpu.memory_space<vmem>>[vector<16xi32>], vector<16xf32>,
        tpu.vector_store_idx %arg5[%convert_element_type3A_616], %broadcast_in_dim3A_1 {add = true} : memref<256xf32, #tpu.memory_space<vmem>>[vector<16xi32>], vector<16xf32>,
        tpu.vector_store_idx %arg5[%convert_element_type3A_620], %broadcast_in_dim3A_1 {add = true} : memref<256xf32, #tpu.memory_space<vmem>>[vector<16xi32>], vector<16xf32>,
        tpu.vector_store_idx %arg5[%convert_element_type3A_624], %broadcast_in_dim3A_1 {add = true} : memref<256xf32, #tpu.memory_space<vmem>>[vector<16xi32>], vector<16xf32>,
        tpu.vector_store_idx %arg5[%convert_element_type3A_628], %broadcast_in_dim3A_1 {add = true} : memref<256xf32, #tpu.memory_space<vmem>>[vector<16xi32>], vector<16xf32>,
        tpu.vector_store_idx %arg5[%convert_element_type3A_632], %broadcast_in_dim3A_1 {add = true} : memref<256xf32, #tpu.memory_space<vmem>>[vector<16xi32>], vector<16xf32>,
        tpu.vector_store_idx %arg5[%convert_element_type3A_636], %broadcast_in_dim3A_1 {add = true} : memref<256xf32, #tpu.memory_space<vmem>>[vector<16xi32>], vector<16xf32>,
        tpu.vector_store_idx %arg5[%convert_element_type3A_640], %broadcast_in_dim3A_1 {add = true} : memref<256xf32, #tpu.memory_space<vmem>>[vector<16xi32>], vector<16xf32>,
        tpu.vector_store_idx %arg5[%convert_element_type3A_644], %broadcast_in_dim3A_1 {add = true} : memref<256xf32, #tpu.memory_space<vmem>>[vector<16xi32>], vector<16xf32>,
        tpu.vector_store_idx %arg5[%convert_element_type3A_648], %broadcast_in_dim3A_1 {add = true} : memref<256xf32, #tpu.memory_space<vmem>>[vector<16xi32>], vector<16xf32>,
        tpu.vector_store_idx %arg5[%convert_element_type3A_652], %broadcast_in_dim3A_1 {add = true} : memref<256xf32, #tpu.memory_space<vmem>>[vector<16xi32>], vector<16xf32>,
        tpu.vector_store_idx %arg5[%convert_element_type3A_656], %broadcast_in_dim3A_1 {add = true} : memref<256xf32, #tpu.memory_space<vmem>>[vector<16xi32>], vector<16xf32>,
        tpu.vector_store_idx %arg5[%convert_element_type3A_660], %broadcast_in_dim3A_1 {add = true} : memref<256xf32, #tpu.memory_space<vmem>>[vector<16xi32>], vector<16xf32>,
      }
      %scan3A_223 = arith.constant 32 : i32
      %jit3A_224 = arith.constant 4 : i32
      %eq3A_225 = arith.constant 0 : i32
      %eq3A_226 = arith.cmpi eq, %jit3A_224, %eq3A_225 : i32
      %jit3A_227 = arith.constant 1 : i32
      %select_n3A_228 = arith.select %eq3A_226, %jit3A_227, %jit3A_224 : i32
      %rem3A_229 = arith.remsi %add3A_40, %select_n3A_228 : i32
      %ne3A_230 = arith.constant 0 : i32
      %ne3A_231 = arith.cmpi ne, %rem3A_229, %ne3A_230 : i32
      %lt3A_232 = arith.constant 0 : i32
      %lt3A_233 = arith.cmpi slt, %rem3A_229, %lt3A_232 : i32
      %lt3A_234 = arith.constant 0 : i32
      %lt3A_235 = arith.cmpi slt, %select_n3A_228, %lt3A_234 : i32
      %ne3A_236 = arith.xori %lt3A_233, %lt3A_235 : i1
      %and3A_237 = arith.andi %ne3A_236, %ne3A_231 : i1
      %add3A_238 = arith.addi %rem3A_229, %select_n3A_228 : i32
      %select_n3A_239 = arith.select %and3A_237, %add3A_238, %rem3A_229 : i32
      %eq3A_240 = arith.constant 3 : i32
      %eq3A_241 = arith.cmpi eq, %select_n3A_239, %eq3A_240 : i32
      %convert_element_type3A_242 = arith.extui %eq3A_241 : i1 to i32
      %cond3A_243 = arith.constant 0 : i32
      %cond3A_244 = arith.cmpi ne, %convert_element_type3A_242, %cond3A_243 : i32
      scf.if %cond3A_244 {
        %jit3A_245 = arith.constant 4 : i32
        %div3A_246 = arith.divsi %add3A_40, %jit3A_245 : i32
        %sign3A_247 = arith.constant 0 : i32
        %sign3A_248 = arith.cmpi sgt, %add3A_40, %sign3A_247 : i32
        %sign3A_249 = arith.extui %sign3A_248 : i1 to i32
        %sign3A_250 = arith.constant 0 : i32
        %sign3A_251 = arith.cmpi slt, %add3A_40, %sign3A_250 : i32
        %sign3A_252 = arith.extui %sign3A_251 : i1 to i32
        %sign3A_253 = arith.subi %sign3A_249, %sign3A_252 : i32
        %sign3A_254 = arith.constant 0 : i32
        %sign3A_255 = arith.cmpi sgt, %jit3A_245, %sign3A_254 : i32
        %sign3A_256 = arith.extui %sign3A_255 : i1 to i32
        %sign3A_257 = arith.constant 0 : i32
        %sign3A_258 = arith.cmpi slt, %jit3A_245, %sign3A_257 : i32
        %sign3A_259 = arith.extui %sign3A_258 : i1 to i32
        %sign3A_260 = arith.subi %sign3A_256, %sign3A_259 : i32
        %ne3A_261 = arith.cmpi ne, %sign3A_253, %sign3A_260 : i32
        %rem3A_262 = arith.remsi %add3A_40, %jit3A_245 : i32
        %ne3A_263 = arith.constant 0 : i32
        %ne3A_264 = arith.cmpi ne, %rem3A_262, %ne3A_263 : i32
        %and3A_265 = arith.andi %ne3A_261, %ne3A_264 : i1
        %sub3A_266 = arith.constant 1 : i32
        %sub3A_267 = arith.subi %div3A_246, %sub3A_266 : i32
        %select_n3A_268 = arith.select %and3A_265, %sub3A_267, %div3A_246 : i32
        %add3A_269 = arith.addi %mul3A_5, %select_n3A_268 : i32
        "tpu.region"() ({
          %run_scoped3A = tpu.sem_alloc : memref<!tpu.dma_semaphore, #tpu.memory_space<semaphore_mem>>
          %dma_start3A_276 = arith.constant 0 : i32
          %dma_start3A_277 = tpu.memref_slice %arg3[%add3A_269, %dma_start3A_276] : memref<256x256xf32, #tpu.memory_space<hbm>> -> memref<1x256xf32, #tpu.memory_space<hbm>>
          %dma_start3A_278 = tpu.memref_squeeze %dma_start3A_277 : memref<1x256xf32, #tpu.memory_space<hbm>> -> memref<256xf32, #tpu.memory_space<hbm>>
          %dma_start3A_279 = arith.constant 0 : i32
          %dma_start3A_280 = tpu.memref_slice %arg3[%add3A_269, %dma_start3A_279] : memref<256x256xf32, #tpu.memory_space<hbm>> -> memref<1x256xf32, #tpu.memory_space<hbm>>
          %dma_start3A_281 = tpu.memref_squeeze %dma_start3A_280 : memref<1x256xf32, #tpu.memory_space<hbm>> -> memref<256xf32, #tpu.memory_space<hbm>>
          tpu.enqueue_dma source(%arg5 : memref<256xf32, #tpu.memory_space<vmem>>) target(%dma_start3A_281 : memref<256xf32, #tpu.memory_space<hbm>>) target_semaphore(%run_scoped3A : memref<!tpu.dma_semaphore, #tpu.memory_space<semaphore_mem>>)
          %dma_wait3A_282 = arith.constant 0 : i32
          %dma_wait3A_283 = tpu.memref_slice %arg3[%add3A_269, %dma_wait3A_282] : memref<256x256xf32, #tpu.memory_space<hbm>> -> memref<1x256xf32, #tpu.memory_space<hbm>>
          %dma_wait3A_284 = tpu.memref_squeeze %dma_wait3A_283 : memref<1x256xf32, #tpu.memory_space<hbm>> -> memref<256xf32, #tpu.memory_space<hbm>>
          %dma_wait3A_285 = arith.constant 0 : i32
          %dma_wait3A_286 = tpu.memref_slice %arg3[%add3A_269, %dma_wait3A_285] : memref<256x256xf32, #tpu.memory_space<hbm>> -> memref<1x256xf32, #tpu.memory_space<hbm>>
          %dma_wait3A_287 = tpu.memref_squeeze %dma_wait3A_286 : memref<1x256xf32, #tpu.memory_space<hbm>> -> memref<256xf32, #tpu.memory_space<hbm>>
          tpu.wait_dma2 semaphore(%run_scoped3A : memref<!tpu.dma_semaphore, #tpu.memory_space<semaphore_mem>>) src(%arg5 : memref<256xf32, #tpu.memory_space<vmem>>) dst(%dma_wait3A_287 : memref<256xf32, #tpu.memory_space<hbm>>)
          tpu.yield
        }) : () -> ()
        %scan3A_270 = arith.constant 0 : i32
        %scan3A_271 = arith.constant 0 : i32
        %scan3A_272 = arith.constant 16 : i32
        %scan3A_273 = arith.addi %scan3A_271, %scan3A_272 : i32
        %scan3A_274 = arith.constant 1 : i32
        scf.for %scan3A_276 = %scan3A_271 to %scan3A_273 step %scan3A_274  : i32 {
          %mul3A_277 = arith.constant 16 : i32
          %mul3A_278 = arith.muli %scan3A_276, %mul3A_277 : i32
          %swap3A = arith.index_cast %mul3A_278 : i32 to index
          %swap3A_279 = tpu.vector_load %arg5[%swap3A] {strides = array<i32>} : memref<256xf32, #tpu.memory_space<vmem>>, vector<16xf32>,
          tpu.vector_store %arg5[%swap3A], %broadcast_in_dim3A_3 {strides = array<i32>} : memref<256xf32, #tpu.memory_space<vmem>>, vector<16xf32>,
        }
        %scan3A_275 = arith.constant 16 : i32
      } else {
      }
    }
    %scan3A_35 = arith.constant 16 : i32
    return
  }
}

module attributes {stable_mosaic.version = 14 : i64} {
  func.func @_entropy_body(%arg0: memref<256x256xf32, #tpu.memory_space<vmem>>, %arg1: memref<256x128xf32, #tpu.memory_space<vmem>>) attributes {dimension_semantics = [], scalar_prefetch = 0 : i64, scratch_operands = 0 : i64, tpu.core_type = #tpu.core_type<tc>} {
    %get3A = arith.constant 0 : index
    %get3A_0 = arith.constant 0 : index
    %get3A_1 = vector.load %arg0[%get3A, %get3A_0] : memref<256x256xf32, #tpu.memory_space<vmem>>, vector<256x256xf32>
    %mul3A = arith.constant 1.52587891E-5 : f32
    %mul3A_2 = vector.broadcast %mul3A : f32 to vector<256x256xf32>
    %mul3A_3 = arith.mulf %get3A_1, %mul3A_2 : vector<256x256xf32>
    %max3A = arith.constant 9.99999993E-9 : f32
    %max3A_4 = vector.broadcast %max3A : f32 to vector<256x256xf32>
    %max3A_5 = arith.maximumf %mul3A_3, %max3A_4 : vector<256x256xf32>
    %log3A = math.log %max3A_5 : vector<256x256xf32>
    %log3A_6 = arith.constant 2.000000e+00 : f32
    %log3A_7 = math.log %log3A_6 : f32
    %div3A = vector.broadcast %log3A_7 : f32 to vector<256x256xf32>
    %div3A_8 = arith.divf %log3A, %div3A : vector<256x256xf32>
    %mul3A_9 = arith.mulf %mul3A_3, %div3A_8 : vector<256x256xf32>
    %reduce_sum3A = arith.constant dense<0.000000e+00> : vector<256xf32>
    %reduce_sum3A_10 = vector.multi_reduction <add>, %mul3A_9, %reduce_sum3A [1] : vector<256x256xf32> to vector<256xf32>
    %neg3A = arith.constant 0.000000e+00 : f32
    %neg3A_11 = vector.broadcast %neg3A : f32 to vector<256xf32>
    %neg3A_12 = arith.subf %neg3A_11, %reduce_sum3A_10 : vector<256xf32>
    %broadcast_in_dim3A = vector.shape_cast %neg3A_12 : vector<256xf32> to vector<256x1xf32>
    %broadcast_in_dim3A_13 = vector.shape_cast %broadcast_in_dim3A : vector<256x1xf32> to vector<256x1xf32>
    %broadcast_in_dim3A_14 = vector.broadcast %broadcast_in_dim3A_13 : vector<256x1xf32> to vector<256x128xf32>
    %swap3A = arith.constant 0 : index
    %swap3A_15 = arith.constant 0 : index
    %swap3A_16 = vector.load %arg1[%swap3A, %swap3A_15] : memref<256x128xf32, #tpu.memory_space<vmem>>, vector<256x128xf32>
    tpu.vector_store %arg1[%swap3A, %swap3A_15], %broadcast_in_dim3A_14 {strides = array<i32>} : memref<256x128xf32, #tpu.memory_space<vmem>>, vector<256x128xf32>,
    return
  }
}

module attributes {stable_mosaic.version = 14 : i64} {
  func.func @_cues_body(%arg0: i32, %arg1: memref<8x1x256x256xf32, #tpu.memory_space<vmem>>, %arg2: memref<8x1x128xf32, #tpu.memory_space<vmem>>, %arg3: memref<8x1x128xf32, #tpu.memory_space<vmem>>) attributes {dimension_semantics = [#tpu.dimension_semantics<arbitrary>], iteration_bounds = array<i64: 32>, scalar_prefetch = 0 : i64, scratch_operands = 0 : i64, tpu.core_type = #tpu.core_type<tc>, window_params = [{transform_indices = @transform_0, window_bounds = array<i64: 8, 1, 256, 256>}, {transform_indices = @transform_1, window_bounds = array<i64: 8, 1, 128>}, {transform_indices = @transform_2, window_bounds = array<i64: 8, 1, 128>}]} {
    %get3A = arith.constant 0 : index
    %get3A_0 = arith.constant 0 : index
    %get3A_1 = arith.constant 0 : index
    %get3A_2 = arith.constant 0 : index
    %get3A_3 = vector.load %arg1[%get3A, %get3A_0, %get3A_1, %get3A_2] : memref<8x1x256x256xf32, #tpu.memory_space<vmem>>, vector<1x1x256x256xf32>
    %get3A_4 = vector.shape_cast %get3A_3 : vector<1x1x256x256xf32> to vector<256x256xf32>
    %reduce_sum3A = vector.shape_cast %get3A_4 : vector<256x256xf32> to vector<1x256x256xf32>
    %reduce_sum3A_5 = arith.constant dense<0.000000e+00> : vector<1xf32>
    %reduce_sum3A_6 = vector.multi_reduction <add>, %reduce_sum3A, %reduce_sum3A_5 [1, 2] : vector<1x256x256xf32> to vector<1xf32>
    %reduce_sum3A_7 = vector.shape_cast %reduce_sum3A_6 : vector<1xf32> to vector<1x1x1xf32>
    %reduce_sum3A_8 = vector.extract %reduce_sum3A_7[0, 0, 0] : f32 from vector<1x1x1xf32>
    %mul3A = arith.mulf %get3A_4, %get3A_4 : vector<256x256xf32>
    %reduce_sum3A_9 = vector.shape_cast %mul3A : vector<256x256xf32> to vector<1x256x256xf32>
    %reduce_sum3A_10 = arith.constant dense<0.000000e+00> : vector<1xf32>
    %reduce_sum3A_11 = vector.multi_reduction <add>, %reduce_sum3A_9, %reduce_sum3A_10 [1, 2] : vector<1x256x256xf32> to vector<1xf32>
    %reduce_sum3A_12 = vector.shape_cast %reduce_sum3A_11 : vector<1xf32> to vector<1x1x1xf32>
    %reduce_sum3A_13 = vector.extract %reduce_sum3A_12[0, 0, 0] : f32 from vector<1x1x1xf32>
    %mul3A_14 = arith.mulf %reduce_sum3A_8, %reduce_sum3A_8 : f32
    %mul3A_15 = arith.constant 1.52587891E-5 : f32
    %mul3A_16 = arith.mulf %mul3A_14, %mul3A_15 : f32
    %sub3A = arith.subf %reduce_sum3A_13, %mul3A_16 : f32
    %mul3A_17 = arith.constant 1.52590219E-5 : f32
    %mul3A_18 = arith.mulf %sub3A, %mul3A_17 : f32
    %broadcast_in_dim3A = arith.constant 0.000000e+00 : f32
    %broadcast_in_dim3A_19 = vector.broadcast %broadcast_in_dim3A : f32 to vector<1x256xf32>
    %broadcast_in_dim3A_20 = arith.constant 0.000000e+00 : f32
    %broadcast_in_dim3A_21 = vector.broadcast %broadcast_in_dim3A_20 : f32 to vector<256x1xf32>
    %slice3A = vector.extract_strided_slice %get3A_4 {offsets = [1, 0], sizes = [255, 256], strides = [1, 1]} : vector<256x256xf32> to vector<255x256xf32>
    %concatenate3A = tpu.concatenate %slice3A, %broadcast_in_dim3A_19 in 0 : vector<255x256xf32>, vector<1x256xf32> -> vector<256x256xf32>
    %slice3A_22 = vector.extract_strided_slice %get3A_4 {offsets = [0, 0], sizes = [255, 256], strides = [1, 1]} : vector<256x256xf32> to vector<255x256xf32>
    %concatenate3A_23 = tpu.concatenate %broadcast_in_dim3A_19, %slice3A_22 in 0 : vector<1x256xf32>, vector<255x256xf32> -> vector<256x256xf32>
    %mul3A_24 = arith.constant 2.000000e+00 : f32
    %mul3A_25 = vector.broadcast %mul3A_24 : f32 to vector<256x256xf32>
    %mul3A_26 = arith.mulf %mul3A_25, %get3A_4 : vector<256x256xf32>
    %add3A = arith.addf %concatenate3A_23, %mul3A_26 : vector<256x256xf32>
    %add3A_27 = arith.addf %add3A, %concatenate3A : vector<256x256xf32>
    %sub3A_28 = arith.subf %concatenate3A, %concatenate3A_23 : vector<256x256xf32>
    %slice3A_29 = vector.extract_strided_slice %add3A_27 {offsets = [0, 1], sizes = [256, 255], strides = [1, 1]} : vector<256x256xf32> to vector<256x255xf32>
    %concatenate3A_30 = tpu.concatenate %slice3A_29, %broadcast_in_dim3A_21 in 1 : vector<256x255xf32>, vector<256x1xf32> -> vector<256x256xf32>
    %slice3A_31 = vector.extract_strided_slice %add3A_27 {offsets = [0, 0], sizes = [256, 255], strides = [1, 1]} : vector<256x256xf32> to vector<256x255xf32>
    %concatenate3A_32 = tpu.concatenate %broadcast_in_dim3A_21, %slice3A_31 in 1 : vector<256x1xf32>, vector<256x255xf32> -> vector<256x256xf32>
    %sub3A_33 = arith.subf %concatenate3A_30, %concatenate3A_32 : vector<256x256xf32>
    %slice3A_34 = vector.extract_strided_slice %sub3A_28 {offsets = [0, 1], sizes = [256, 255], strides = [1, 1]} : vector<256x256xf32> to vector<256x255xf32>
    %concatenate3A_35 = tpu.concatenate %slice3A_34, %broadcast_in_dim3A_21 in 1 : vector<256x255xf32>, vector<256x1xf32> -> vector<256x256xf32>
    %slice3A_36 = vector.extract_strided_slice %sub3A_28 {offsets = [0, 0], sizes = [256, 255], strides = [1, 1]} : vector<256x256xf32> to vector<256x255xf32>
    %concatenate3A_37 = tpu.concatenate %broadcast_in_dim3A_21, %slice3A_36 in 1 : vector<256x1xf32>, vector<256x255xf32> -> vector<256x256xf32>
    %mul3A_38 = arith.constant 2.000000e+00 : f32
    %mul3A_39 = vector.broadcast %mul3A_38 : f32 to vector<256x256xf32>
    %mul3A_40 = arith.mulf %mul3A_39, %sub3A_28 : vector<256x256xf32>
    %add3A_41 = arith.addf %concatenate3A_35, %mul3A_40 : vector<256x256xf32>
    %add3A_42 = arith.addf %add3A_41, %concatenate3A_37 : vector<256x256xf32>
    %abs3A = math.absf %sub3A_33 : vector<256x256xf32>
    %reduce_max3A = vector.shape_cast %abs3A : vector<256x256xf32> to vector<1x256x256xf32>
    %reduce_max3A_43 = arith.constant dense<0xFF800000> : vector<1xf32>
    %reduce_max3A_44 = vector.multi_reduction <maximumf>, %reduce_max3A, %reduce_max3A_43 [1, 2] : vector<1x256x256xf32> to vector<1xf32>
    %reduce_max3A_45 = vector.shape_cast %reduce_max3A_44 : vector<1xf32> to vector<1x1x1xf32>
    %reduce_max3A_46 = vector.extract %reduce_max3A_45[0, 0, 0] : f32 from vector<1x1x1xf32>
    %abs3A_47 = math.absf %add3A_42 : vector<256x256xf32>
    %reduce_max3A_48 = vector.shape_cast %abs3A_47 : vector<256x256xf32> to vector<1x256x256xf32>
    %reduce_max3A_49 = arith.constant dense<0xFF800000> : vector<1xf32>
    %reduce_max3A_50 = vector.multi_reduction <maximumf>, %reduce_max3A_48, %reduce_max3A_49 [1, 2] : vector<1x256x256xf32> to vector<1xf32>
    %reduce_max3A_51 = vector.shape_cast %reduce_max3A_50 : vector<1xf32> to vector<1x1x1xf32>
    %reduce_max3A_52 = vector.extract %reduce_max3A_51[0, 0, 0] : f32 from vector<1x1x1xf32>
    %max3A = arith.maximumf %reduce_max3A_46, %reduce_max3A_52 : f32
    %broadcast_in_dim3A_53 = vector.broadcast %mul3A_18 : f32 to vector<128xf32>
    %swap3A = arith.constant 0 : index
    %swap3A_54 = arith.constant 0 : index
    %swap3A_55 = arith.constant 0 : index
    %swap3A_56 = vector.load %arg2[%swap3A, %swap3A_54, %swap3A_55] : memref<8x1x128xf32, #tpu.memory_space<vmem>>, vector<1x1x128xf32>
    %swap3A_57 = vector.shape_cast %swap3A_56 : vector<1x1x128xf32> to vector<128xf32>
    %swap3A_58 = vector.shape_cast %broadcast_in_dim3A_53 : vector<128xf32> to vector<1x1x128xf32>
    tpu.vector_store %arg2[%swap3A, %swap3A_54, %swap3A_55], %swap3A_58 {strides = array<i32>} : memref<8x1x128xf32, #tpu.memory_space<vmem>>, vector<1x1x128xf32>,
    %broadcast_in_dim3A_59 = vector.broadcast %max3A : f32 to vector<128xf32>
    %swap3A_60 = arith.constant 0 : index
    %swap3A_61 = arith.constant 0 : index
    %swap3A_62 = arith.constant 0 : index
    %swap3A_63 = vector.load %arg3[%swap3A_60, %swap3A_61, %swap3A_62] : memref<8x1x128xf32, #tpu.memory_space<vmem>>, vector<1x1x128xf32>
    %swap3A_64 = vector.shape_cast %swap3A_63 : vector<1x1x128xf32> to vector<128xf32>
    %swap3A_65 = vector.shape_cast %broadcast_in_dim3A_59 : vector<128xf32> to vector<1x1x128xf32>
    tpu.vector_store %arg3[%swap3A_60, %swap3A_61, %swap3A_62], %swap3A_65 {strides = array<i32>} : memref<8x1x128xf32, #tpu.memory_space<vmem>>, vector<1x1x128xf32>,
    %get3A_66 = arith.constant 1 : index
    %get3A_67 = arith.constant 0 : index
    %get3A_68 = arith.constant 0 : index
    %get3A_69 = arith.constant 0 : index
    %get3A_70 = vector.load %arg1[%get3A_66, %get3A_67, %get3A_68, %get3A_69] : memref<8x1x256x256xf32, #tpu.memory_space<vmem>>, vector<1x1x256x256xf32>
    %get3A_71 = vector.shape_cast %get3A_70 : vector<1x1x256x256xf32> to vector<256x256xf32>
    %reduce_sum3A_72 = vector.shape_cast %get3A_71 : vector<256x256xf32> to vector<1x256x256xf32>
    %reduce_sum3A_73 = arith.constant dense<0.000000e+00> : vector<1xf32>
    %reduce_sum3A_74 = vector.multi_reduction <add>, %reduce_sum3A_72, %reduce_sum3A_73 [1, 2] : vector<1x256x256xf32> to vector<1xf32>
    %reduce_sum3A_75 = vector.shape_cast %reduce_sum3A_74 : vector<1xf32> to vector<1x1x1xf32>
    %reduce_sum3A_76 = vector.extract %reduce_sum3A_75[0, 0, 0] : f32 from vector<1x1x1xf32>
    %mul3A_77 = arith.mulf %get3A_71, %get3A_71 : vector<256x256xf32>
    %reduce_sum3A_78 = vector.shape_cast %mul3A_77 : vector<256x256xf32> to vector<1x256x256xf32>
    %reduce_sum3A_79 = arith.constant dense<0.000000e+00> : vector<1xf32>
    %reduce_sum3A_80 = vector.multi_reduction <add>, %reduce_sum3A_78, %reduce_sum3A_79 [1, 2] : vector<1x256x256xf32> to vector<1xf32>
    %reduce_sum3A_81 = vector.shape_cast %reduce_sum3A_80 : vector<1xf32> to vector<1x1x1xf32>
    %reduce_sum3A_82 = vector.extract %reduce_sum3A_81[0, 0, 0] : f32 from vector<1x1x1xf32>
    %mul3A_83 = arith.mulf %reduce_sum3A_76, %reduce_sum3A_76 : f32
    %mul3A_84 = arith.constant 1.52587891E-5 : f32
    %mul3A_85 = arith.mulf %mul3A_83, %mul3A_84 : f32
    %sub3A_86 = arith.subf %reduce_sum3A_82, %mul3A_85 : f32
    %mul3A_87 = arith.constant 1.52590219E-5 : f32
    %mul3A_88 = arith.mulf %sub3A_86, %mul3A_87 : f32
    %broadcast_in_dim3A_89 = arith.constant 0.000000e+00 : f32
    %broadcast_in_dim3A_90 = vector.broadcast %broadcast_in_dim3A_89 : f32 to vector<1x256xf32>
    %broadcast_in_dim3A_91 = arith.constant 0.000000e+00 : f32
    %broadcast_in_dim3A_92 = vector.broadcast %broadcast_in_dim3A_91 : f32 to vector<256x1xf32>
    %slice3A_93 = vector.extract_strided_slice %get3A_71 {offsets = [1, 0], sizes = [255, 256], strides = [1, 1]} : vector<256x256xf32> to vector<255x256xf32>
    %concatenate3A_94 = tpu.concatenate %slice3A_93, %broadcast_in_dim3A_90 in 0 : vector<255x256xf32>, vector<1x256xf32> -> vector<256x256xf32>
    %slice3A_95 = vector.extract_strided_slice %get3A_71 {offsets = [0, 0], sizes = [255, 256], strides = [1, 1]} : vector<256x256xf32> to vector<255x256xf32>
    %concatenate3A_96 = tpu.concatenate %broadcast_in_dim3A_90, %slice3A_95 in 0 : vector<1x256xf32>, vector<255x256xf32> -> vector<256x256xf32>
    %mul3A_97 = arith.constant 2.000000e+00 : f32
    %mul3A_98 = vector.broadcast %mul3A_97 : f32 to vector<256x256xf32>
    %mul3A_99 = arith.mulf %mul3A_98, %get3A_71 : vector<256x256xf32>
    %add3A_100 = arith.addf %concatenate3A_96, %mul3A_99 : vector<256x256xf32>
    %add3A_101 = arith.addf %add3A_100, %concatenate3A_94 : vector<256x256xf32>
    %sub3A_102 = arith.subf %concatenate3A_94, %concatenate3A_96 : vector<256x256xf32>
    %slice3A_103 = vector.extract_strided_slice %add3A_101 {offsets = [0, 1], sizes = [256, 255], strides = [1, 1]} : vector<256x256xf32> to vector<256x255xf32>
    %concatenate3A_104 = tpu.concatenate %slice3A_103, %broadcast_in_dim3A_92 in 1 : vector<256x255xf32>, vector<256x1xf32> -> vector<256x256xf32>
    %slice3A_105 = vector.extract_strided_slice %add3A_101 {offsets = [0, 0], sizes = [256, 255], strides = [1, 1]} : vector<256x256xf32> to vector<256x255xf32>
    %concatenate3A_106 = tpu.concatenate %broadcast_in_dim3A_92, %slice3A_105 in 1 : vector<256x1xf32>, vector<256x255xf32> -> vector<256x256xf32>
    %sub3A_107 = arith.subf %concatenate3A_104, %concatenate3A_106 : vector<256x256xf32>
    %slice3A_108 = vector.extract_strided_slice %sub3A_102 {offsets = [0, 1], sizes = [256, 255], strides = [1, 1]} : vector<256x256xf32> to vector<256x255xf32>
    %concatenate3A_109 = tpu.concatenate %slice3A_108, %broadcast_in_dim3A_92 in 1 : vector<256x255xf32>, vector<256x1xf32> -> vector<256x256xf32>
    %slice3A_110 = vector.extract_strided_slice %sub3A_102 {offsets = [0, 0], sizes = [256, 255], strides = [1, 1]} : vector<256x256xf32> to vector<256x255xf32>
    %concatenate3A_111 = tpu.concatenate %broadcast_in_dim3A_92, %slice3A_110 in 1 : vector<256x1xf32>, vector<256x255xf32> -> vector<256x256xf32>
    %mul3A_112 = arith.constant 2.000000e+00 : f32
    %mul3A_113 = vector.broadcast %mul3A_112 : f32 to vector<256x256xf32>
    %mul3A_114 = arith.mulf %mul3A_113, %sub3A_102 : vector<256x256xf32>
    %add3A_115 = arith.addf %concatenate3A_109, %mul3A_114 : vector<256x256xf32>
    %add3A_116 = arith.addf %add3A_115, %concatenate3A_111 : vector<256x256xf32>
    %abs3A_117 = math.absf %sub3A_107 : vector<256x256xf32>
    %reduce_max3A_118 = vector.shape_cast %abs3A_117 : vector<256x256xf32> to vector<1x256x256xf32>
    %reduce_max3A_119 = arith.constant dense<0xFF800000> : vector<1xf32>
    %reduce_max3A_120 = vector.multi_reduction <maximumf>, %reduce_max3A_118, %reduce_max3A_119 [1, 2] : vector<1x256x256xf32> to vector<1xf32>
    %reduce_max3A_121 = vector.shape_cast %reduce_max3A_120 : vector<1xf32> to vector<1x1x1xf32>
    %reduce_max3A_122 = vector.extract %reduce_max3A_121[0, 0, 0] : f32 from vector<1x1x1xf32>
    %abs3A_123 = math.absf %add3A_116 : vector<256x256xf32>
    %reduce_max3A_124 = vector.shape_cast %abs3A_123 : vector<256x256xf32> to vector<1x256x256xf32>
    %reduce_max3A_125 = arith.constant dense<0xFF800000> : vector<1xf32>
    %reduce_max3A_126 = vector.multi_reduction <maximumf>, %reduce_max3A_124, %reduce_max3A_125 [1, 2] : vector<1x256x256xf32> to vector<1xf32>
    %reduce_max3A_127 = vector.shape_cast %reduce_max3A_126 : vector<1xf32> to vector<1x1x1xf32>
    %reduce_max3A_128 = vector.extract %reduce_max3A_127[0, 0, 0] : f32 from vector<1x1x1xf32>
    %max3A_129 = arith.maximumf %reduce_max3A_122, %reduce_max3A_128 : f32
    %broadcast_in_dim3A_130 = vector.broadcast %mul3A_88 : f32 to vector<128xf32>
    %swap3A_131 = arith.constant 1 : index
    %swap3A_132 = arith.constant 0 : index
    %swap3A_133 = arith.constant 0 : index
    %swap3A_134 = vector.load %arg2[%swap3A_131, %swap3A_132, %swap3A_133] : memref<8x1x128xf32, #tpu.memory_space<vmem>>, vector<1x1x128xf32>
    %swap3A_135 = vector.shape_cast %swap3A_134 : vector<1x1x128xf32> to vector<128xf32>
    %swap3A_136 = vector.shape_cast %broadcast_in_dim3A_130 : vector<128xf32> to vector<1x1x128xf32>
    tpu.vector_store %arg2[%swap3A_131, %swap3A_132, %swap3A_133], %swap3A_136 {strides = array<i32>} : memref<8x1x128xf32, #tpu.memory_space<vmem>>, vector<1x1x128xf32>,
    %broadcast_in_dim3A_137 = vector.broadcast %max3A_129 : f32 to vector<128xf32>
    %swap3A_138 = arith.constant 1 : index
    %swap3A_139 = arith.constant 0 : index
    %swap3A_140 = arith.constant 0 : index
    %swap3A_141 = vector.load %arg3[%swap3A_138, %swap3A_139, %swap3A_140] : memref<8x1x128xf32, #tpu.memory_space<vmem>>, vector<1x1x128xf32>
    %swap3A_142 = vector.shape_cast %swap3A_141 : vector<1x1x128xf32> to vector<128xf32>
    %swap3A_143 = vector.shape_cast %broadcast_in_dim3A_137 : vector<128xf32> to vector<1x1x128xf32>
    tpu.vector_store %arg3[%swap3A_138, %swap3A_139, %swap3A_140], %swap3A_143 {strides = array<i32>} : memref<8x1x128xf32, #tpu.memory_space<vmem>>, vector<1x1x128xf32>,
    %get3A_144 = arith.constant 2 : index
    %get3A_145 = arith.constant 0 : index
    %get3A_146 = arith.constant 0 : index
    %get3A_147 = arith.constant 0 : index
    %get3A_148 = vector.load %arg1[%get3A_144, %get3A_145, %get3A_146, %get3A_147] : memref<8x1x256x256xf32, #tpu.memory_space<vmem>>, vector<1x1x256x256xf32>
    %get3A_149 = vector.shape_cast %get3A_148 : vector<1x1x256x256xf32> to vector<256x256xf32>
    %reduce_sum3A_150 = vector.shape_cast %get3A_149 : vector<256x256xf32> to vector<1x256x256xf32>
    %reduce_sum3A_151 = arith.constant dense<0.000000e+00> : vector<1xf32>
    %reduce_sum3A_152 = vector.multi_reduction <add>, %reduce_sum3A_150, %reduce_sum3A_151 [1, 2] : vector<1x256x256xf32> to vector<1xf32>
    %reduce_sum3A_153 = vector.shape_cast %reduce_sum3A_152 : vector<1xf32> to vector<1x1x1xf32>
    %reduce_sum3A_154 = vector.extract %reduce_sum3A_153[0, 0, 0] : f32 from vector<1x1x1xf32>
    %mul3A_155 = arith.mulf %get3A_149, %get3A_149 : vector<256x256xf32>
    %reduce_sum3A_156 = vector.shape_cast %mul3A_155 : vector<256x256xf32> to vector<1x256x256xf32>
    %reduce_sum3A_157 = arith.constant dense<0.000000e+00> : vector<1xf32>
    %reduce_sum3A_158 = vector.multi_reduction <add>, %reduce_sum3A_156, %reduce_sum3A_157 [1, 2] : vector<1x256x256xf32> to vector<1xf32>
    %reduce_sum3A_159 = vector.shape_cast %reduce_sum3A_158 : vector<1xf32> to vector<1x1x1xf32>
    %reduce_sum3A_160 = vector.extract %reduce_sum3A_159[0, 0, 0] : f32 from vector<1x1x1xf32>
    %mul3A_161 = arith.mulf %reduce_sum3A_154, %reduce_sum3A_154 : f32
    %mul3A_162 = arith.constant 1.52587891E-5 : f32
    %mul3A_163 = arith.mulf %mul3A_161, %mul3A_162 : f32
    %sub3A_164 = arith.subf %reduce_sum3A_160, %mul3A_163 : f32
    %mul3A_165 = arith.constant 1.52590219E-5 : f32
    %mul3A_166 = arith.mulf %sub3A_164, %mul3A_165 : f32
    %broadcast_in_dim3A_167 = arith.constant 0.000000e+00 : f32
    %broadcast_in_dim3A_168 = vector.broadcast %broadcast_in_dim3A_167 : f32 to vector<1x256xf32>
    %broadcast_in_dim3A_169 = arith.constant 0.000000e+00 : f32
    %broadcast_in_dim3A_170 = vector.broadcast %broadcast_in_dim3A_169 : f32 to vector<256x1xf32>
    %slice3A_171 = vector.extract_strided_slice %get3A_149 {offsets = [1, 0], sizes = [255, 256], strides = [1, 1]} : vector<256x256xf32> to vector<255x256xf32>
    %concatenate3A_172 = tpu.concatenate %slice3A_171, %broadcast_in_dim3A_168 in 0 : vector<255x256xf32>, vector<1x256xf32> -> vector<256x256xf32>
    %slice3A_173 = vector.extract_strided_slice %get3A_149 {offsets = [0, 0], sizes = [255, 256], strides = [1, 1]} : vector<256x256xf32> to vector<255x256xf32>
    %concatenate3A_174 = tpu.concatenate %broadcast_in_dim3A_168, %slice3A_173 in 0 : vector<1x256xf32>, vector<255x256xf32> -> vector<256x256xf32>
    %mul3A_175 = arith.constant 2.000000e+00 : f32
    %mul3A_176 = vector.broadcast %mul3A_175 : f32 to vector<256x256xf32>
    %mul3A_177 = arith.mulf %mul3A_176, %get3A_149 : vector<256x256xf32>
    %add3A_178 = arith.addf %concatenate3A_174, %mul3A_177 : vector<256x256xf32>
    %add3A_179 = arith.addf %add3A_178, %concatenate3A_172 : vector<256x256xf32>
    %sub3A_180 = arith.subf %concatenate3A_172, %concatenate3A_174 : vector<256x256xf32>
    %slice3A_181 = vector.extract_strided_slice %add3A_179 {offsets = [0, 1], sizes = [256, 255], strides = [1, 1]} : vector<256x256xf32> to vector<256x255xf32>
    %concatenate3A_182 = tpu.concatenate %slice3A_181, %broadcast_in_dim3A_170 in 1 : vector<256x255xf32>, vector<256x1xf32> -> vector<256x256xf32>
    %slice3A_183 = vector.extract_strided_slice %add3A_179 {offsets = [0, 0], sizes = [256, 255], strides = [1, 1]} : vector<256x256xf32> to vector<256x255xf32>
    %concatenate3A_184 = tpu.concatenate %broadcast_in_dim3A_170, %slice3A_183 in 1 : vector<256x1xf32>, vector<256x255xf32> -> vector<256x256xf32>
    %sub3A_185 = arith.subf %concatenate3A_182, %concatenate3A_184 : vector<256x256xf32>
    %slice3A_186 = vector.extract_strided_slice %sub3A_180 {offsets = [0, 1], sizes = [256, 255], strides = [1, 1]} : vector<256x256xf32> to vector<256x255xf32>
    %concatenate3A_187 = tpu.concatenate %slice3A_186, %broadcast_in_dim3A_170 in 1 : vector<256x255xf32>, vector<256x1xf32> -> vector<256x256xf32>
    %slice3A_188 = vector.extract_strided_slice %sub3A_180 {offsets = [0, 0], sizes = [256, 255], strides = [1, 1]} : vector<256x256xf32> to vector<256x255xf32>
    %concatenate3A_189 = tpu.concatenate %broadcast_in_dim3A_170, %slice3A_188 in 1 : vector<256x1xf32>, vector<256x255xf32> -> vector<256x256xf32>
    %mul3A_190 = arith.constant 2.000000e+00 : f32
    %mul3A_191 = vector.broadcast %mul3A_190 : f32 to vector<256x256xf32>
    %mul3A_192 = arith.mulf %mul3A_191, %sub3A_180 : vector<256x256xf32>
    %add3A_193 = arith.addf %concatenate3A_187, %mul3A_192 : vector<256x256xf32>
    %add3A_194 = arith.addf %add3A_193, %concatenate3A_189 : vector<256x256xf32>
    %abs3A_195 = math.absf %sub3A_185 : vector<256x256xf32>
    %reduce_max3A_196 = vector.shape_cast %abs3A_195 : vector<256x256xf32> to vector<1x256x256xf32>
    %reduce_max3A_197 = arith.constant dense<0xFF800000> : vector<1xf32>
    %reduce_max3A_198 = vector.multi_reduction <maximumf>, %reduce_max3A_196, %reduce_max3A_197 [1, 2] : vector<1x256x256xf32> to vector<1xf32>
    %reduce_max3A_199 = vector.shape_cast %reduce_max3A_198 : vector<1xf32> to vector<1x1x1xf32>
    %reduce_max3A_200 = vector.extract %reduce_max3A_199[0, 0, 0] : f32 from vector<1x1x1xf32>
    %abs3A_201 = math.absf %add3A_194 : vector<256x256xf32>
    %reduce_max3A_202 = vector.shape_cast %abs3A_201 : vector<256x256xf32> to vector<1x256x256xf32>
    %reduce_max3A_203 = arith.constant dense<0xFF800000> : vector<1xf32>
    %reduce_max3A_204 = vector.multi_reduction <maximumf>, %reduce_max3A_202, %reduce_max3A_203 [1, 2] : vector<1x256x256xf32> to vector<1xf32>
    %reduce_max3A_205 = vector.shape_cast %reduce_max3A_204 : vector<1xf32> to vector<1x1x1xf32>
    %reduce_max3A_206 = vector.extract %reduce_max3A_205[0, 0, 0] : f32 from vector<1x1x1xf32>
    %max3A_207 = arith.maximumf %reduce_max3A_200, %reduce_max3A_206 : f32
    %broadcast_in_dim3A_208 = vector.broadcast %mul3A_166 : f32 to vector<128xf32>
    %swap3A_209 = arith.constant 2 : index
    %swap3A_210 = arith.constant 0 : index
    %swap3A_211 = arith.constant 0 : index
    %swap3A_212 = vector.load %arg2[%swap3A_209, %swap3A_210, %swap3A_211] : memref<8x1x128xf32, #tpu.memory_space<vmem>>, vector<1x1x128xf32>
    %swap3A_213 = vector.shape_cast %swap3A_212 : vector<1x1x128xf32> to vector<128xf32>
    %swap3A_214 = vector.shape_cast %broadcast_in_dim3A_208 : vector<128xf32> to vector<1x1x128xf32>
    tpu.vector_store %arg2[%swap3A_209, %swap3A_210, %swap3A_211], %swap3A_214 {strides = array<i32>} : memref<8x1x128xf32, #tpu.memory_space<vmem>>, vector<1x1x128xf32>,
    %broadcast_in_dim3A_215 = vector.broadcast %max3A_207 : f32 to vector<128xf32>
    %swap3A_216 = arith.constant 2 : index
    %swap3A_217 = arith.constant 0 : index
    %swap3A_218 = arith.constant 0 : index
    %swap3A_219 = vector.load %arg3[%swap3A_216, %swap3A_217, %swap3A_218] : memref<8x1x128xf32, #tpu.memory_space<vmem>>, vector<1x1x128xf32>
    %swap3A_220 = vector.shape_cast %swap3A_219 : vector<1x1x128xf32> to vector<128xf32>
    %swap3A_221 = vector.shape_cast %broadcast_in_dim3A_215 : vector<128xf32> to vector<1x1x128xf32>
    tpu.vector_store %arg3[%swap3A_216, %swap3A_217, %swap3A_218], %swap3A_221 {strides = array<i32>} : memref<8x1x128xf32, #tpu.memory_space<vmem>>, vector<1x1x128xf32>,
    %get3A_222 = arith.constant 3 : index
    %get3A_223 = arith.constant 0 : index
    %get3A_224 = arith.constant 0 : index
    %get3A_225 = arith.constant 0 : index
    %get3A_226 = vector.load %arg1[%get3A_222, %get3A_223, %get3A_224, %get3A_225] : memref<8x1x256x256xf32, #tpu.memory_space<vmem>>, vector<1x1x256x256xf32>
    %get3A_227 = vector.shape_cast %get3A_226 : vector<1x1x256x256xf32> to vector<256x256xf32>
    %reduce_sum3A_228 = vector.shape_cast %get3A_227 : vector<256x256xf32> to vector<1x256x256xf32>
    %reduce_sum3A_229 = arith.constant dense<0.000000e+00> : vector<1xf32>
    %reduce_sum3A_230 = vector.multi_reduction <add>, %reduce_sum3A_228, %reduce_sum3A_229 [1, 2] : vector<1x256x256xf32> to vector<1xf32>
    %reduce_sum3A_231 = vector.shape_cast %reduce_sum3A_230 : vector<1xf32> to vector<1x1x1xf32>
    %reduce_sum3A_232 = vector.extract %reduce_sum3A_231[0, 0, 0] : f32 from vector<1x1x1xf32>
    %mul3A_233 = arith.mulf %get3A_227, %get3A_227 : vector<256x256xf32>
    %reduce_sum3A_234 = vector.shape_cast %mul3A_233 : vector<256x256xf32> to vector<1x256x256xf32>
    %reduce_sum3A_235 = arith.constant dense<0.000000e+00> : vector<1xf32>
    %reduce_sum3A_236 = vector.multi_reduction <add>, %reduce_sum3A_234, %reduce_sum3A_235 [1, 2] : vector<1x256x256xf32> to vector<1xf32>
    %reduce_sum3A_237 = vector.shape_cast %reduce_sum3A_236 : vector<1xf32> to vector<1x1x1xf32>
    %reduce_sum3A_238 = vector.extract %reduce_sum3A_237[0, 0, 0] : f32 from vector<1x1x1xf32>
    %mul3A_239 = arith.mulf %reduce_sum3A_232, %reduce_sum3A_232 : f32
    %mul3A_240 = arith.constant 1.52587891E-5 : f32
    %mul3A_241 = arith.mulf %mul3A_239, %mul3A_240 : f32
    %sub3A_242 = arith.subf %reduce_sum3A_238, %mul3A_241 : f32
    %mul3A_243 = arith.constant 1.52590219E-5 : f32
    %mul3A_244 = arith.mulf %sub3A_242, %mul3A_243 : f32
    %broadcast_in_dim3A_245 = arith.constant 0.000000e+00 : f32
    %broadcast_in_dim3A_246 = vector.broadcast %broadcast_in_dim3A_245 : f32 to vector<1x256xf32>
    %broadcast_in_dim3A_247 = arith.constant 0.000000e+00 : f32
    %broadcast_in_dim3A_248 = vector.broadcast %broadcast_in_dim3A_247 : f32 to vector<256x1xf32>
    %slice3A_249 = vector.extract_strided_slice %get3A_227 {offsets = [1, 0], sizes = [255, 256], strides = [1, 1]} : vector<256x256xf32> to vector<255x256xf32>
    %concatenate3A_250 = tpu.concatenate %slice3A_249, %broadcast_in_dim3A_246 in 0 : vector<255x256xf32>, vector<1x256xf32> -> vector<256x256xf32>
    %slice3A_251 = vector.extract_strided_slice %get3A_227 {offsets = [0, 0], sizes = [255, 256], strides = [1, 1]} : vector<256x256xf32> to vector<255x256xf32>
    %concatenate3A_252 = tpu.concatenate %broadcast_in_dim3A_246, %slice3A_251 in 0 : vector<1x256xf32>, vector<255x256xf32> -> vector<256x256xf32>
    %mul3A_253 = arith.constant 2.000000e+00 : f32
    %mul3A_254 = vector.broadcast %mul3A_253 : f32 to vector<256x256xf32>
    %mul3A_255 = arith.mulf %mul3A_254, %get3A_227 : vector<256x256xf32>
    %add3A_256 = arith.addf %concatenate3A_252, %mul3A_255 : vector<256x256xf32>
    %add3A_257 = arith.addf %add3A_256, %concatenate3A_250 : vector<256x256xf32>
    %sub3A_258 = arith.subf %concatenate3A_250, %concatenate3A_252 : vector<256x256xf32>
    %slice3A_259 = vector.extract_strided_slice %add3A_257 {offsets = [0, 1], sizes = [256, 255], strides = [1, 1]} : vector<256x256xf32> to vector<256x255xf32>
    %concatenate3A_260 = tpu.concatenate %slice3A_259, %broadcast_in_dim3A_248 in 1 : vector<256x255xf32>, vector<256x1xf32> -> vector<256x256xf32>
    %slice3A_261 = vector.extract_strided_slice %add3A_257 {offsets = [0, 0], sizes = [256, 255], strides = [1, 1]} : vector<256x256xf32> to vector<256x255xf32>
    %concatenate3A_262 = tpu.concatenate %broadcast_in_dim3A_248, %slice3A_261 in 1 : vector<256x1xf32>, vector<256x255xf32> -> vector<256x256xf32>
    %sub3A_263 = arith.subf %concatenate3A_260, %concatenate3A_262 : vector<256x256xf32>
    %slice3A_264 = vector.extract_strided_slice %sub3A_258 {offsets = [0, 1], sizes = [256, 255], strides = [1, 1]} : vector<256x256xf32> to vector<256x255xf32>
    %concatenate3A_265 = tpu.concatenate %slice3A_264, %broadcast_in_dim3A_248 in 1 : vector<256x255xf32>, vector<256x1xf32> -> vector<256x256xf32>
    %slice3A_266 = vector.extract_strided_slice %sub3A_258 {offsets = [0, 0], sizes = [256, 255], strides = [1, 1]} : vector<256x256xf32> to vector<256x255xf32>
    %concatenate3A_267 = tpu.concatenate %broadcast_in_dim3A_248, %slice3A_266 in 1 : vector<256x1xf32>, vector<256x255xf32> -> vector<256x256xf32>
    %mul3A_268 = arith.constant 2.000000e+00 : f32
    %mul3A_269 = vector.broadcast %mul3A_268 : f32 to vector<256x256xf32>
    %mul3A_270 = arith.mulf %mul3A_269, %sub3A_258 : vector<256x256xf32>
    %add3A_271 = arith.addf %concatenate3A_265, %mul3A_270 : vector<256x256xf32>
    %add3A_272 = arith.addf %add3A_271, %concatenate3A_267 : vector<256x256xf32>
    %abs3A_273 = math.absf %sub3A_263 : vector<256x256xf32>
    %reduce_max3A_274 = vector.shape_cast %abs3A_273 : vector<256x256xf32> to vector<1x256x256xf32>
    %reduce_max3A_275 = arith.constant dense<0xFF800000> : vector<1xf32>
    %reduce_max3A_276 = vector.multi_reduction <maximumf>, %reduce_max3A_274, %reduce_max3A_275 [1, 2] : vector<1x256x256xf32> to vector<1xf32>
    %reduce_max3A_277 = vector.shape_cast %reduce_max3A_276 : vector<1xf32> to vector<1x1x1xf32>
    %reduce_max3A_278 = vector.extract %reduce_max3A_277[0, 0, 0] : f32 from vector<1x1x1xf32>
    %abs3A_279 = math.absf %add3A_272 : vector<256x256xf32>
    %reduce_max3A_280 = vector.shape_cast %abs3A_279 : vector<256x256xf32> to vector<1x256x256xf32>
    %reduce_max3A_281 = arith.constant dense<0xFF800000> : vector<1xf32>
    %reduce_max3A_282 = vector.multi_reduction <maximumf>, %reduce_max3A_280, %reduce_max3A_281 [1, 2] : vector<1x256x256xf32> to vector<1xf32>
    %reduce_max3A_283 = vector.shape_cast %reduce_max3A_282 : vector<1xf32> to vector<1x1x1xf32>
    %reduce_max3A_284 = vector.extract %reduce_max3A_283[0, 0, 0] : f32 from vector<1x1x1xf32>
    %max3A_285 = arith.maximumf %reduce_max3A_278, %reduce_max3A_284 : f32
    %broadcast_in_dim3A_286 = vector.broadcast %mul3A_244 : f32 to vector<128xf32>
    %swap3A_287 = arith.constant 3 : index
    %swap3A_288 = arith.constant 0 : index
    %swap3A_289 = arith.constant 0 : index
    %swap3A_290 = vector.load %arg2[%swap3A_287, %swap3A_288, %swap3A_289] : memref<8x1x128xf32, #tpu.memory_space<vmem>>, vector<1x1x128xf32>
    %swap3A_291 = vector.shape_cast %swap3A_290 : vector<1x1x128xf32> to vector<128xf32>
    %swap3A_292 = vector.shape_cast %broadcast_in_dim3A_286 : vector<128xf32> to vector<1x1x128xf32>
    tpu.vector_store %arg2[%swap3A_287, %swap3A_288, %swap3A_289], %swap3A_292 {strides = array<i32>} : memref<8x1x128xf32, #tpu.memory_space<vmem>>, vector<1x1x128xf32>,
    %broadcast_in_dim3A_293 = vector.broadcast %max3A_285 : f32 to vector<128xf32>
    %swap3A_294 = arith.constant 3 : index
    %swap3A_295 = arith.constant 0 : index
    %swap3A_296 = arith.constant 0 : index
    %swap3A_297 = vector.load %arg3[%swap3A_294, %swap3A_295, %swap3A_296] : memref<8x1x128xf32, #tpu.memory_space<vmem>>, vector<1x1x128xf32>
    %swap3A_298 = vector.shape_cast %swap3A_297 : vector<1x1x128xf32> to vector<128xf32>
    %swap3A_299 = vector.shape_cast %broadcast_in_dim3A_293 : vector<128xf32> to vector<1x1x128xf32>
    tpu.vector_store %arg3[%swap3A_294, %swap3A_295, %swap3A_296], %swap3A_299 {strides = array<i32>} : memref<8x1x128xf32, #tpu.memory_space<vmem>>, vector<1x1x128xf32>,
    %get3A_300 = arith.constant 4 : index
    %get3A_301 = arith.constant 0 : index
    %get3A_302 = arith.constant 0 : index
    %get3A_303 = arith.constant 0 : index
    %get3A_304 = vector.load %arg1[%get3A_300, %get3A_301, %get3A_302, %get3A_303] : memref<8x1x256x256xf32, #tpu.memory_space<vmem>>, vector<1x1x256x256xf32>
    %get3A_305 = vector.shape_cast %get3A_304 : vector<1x1x256x256xf32> to vector<256x256xf32>
    %reduce_sum3A_306 = vector.shape_cast %get3A_305 : vector<256x256xf32> to vector<1x256x256xf32>
    %reduce_sum3A_307 = arith.constant dense<0.000000e+00> : vector<1xf32>
    %reduce_sum3A_308 = vector.multi_reduction <add>, %reduce_sum3A_306, %reduce_sum3A_307 [1, 2] : vector<1x256x256xf32> to vector<1xf32>
    %reduce_sum3A_309 = vector.shape_cast %reduce_sum3A_308 : vector<1xf32> to vector<1x1x1xf32>
    %reduce_sum3A_310 = vector.extract %reduce_sum3A_309[0, 0, 0] : f32 from vector<1x1x1xf32>
    %mul3A_311 = arith.mulf %get3A_305, %get3A_305 : vector<256x256xf32>
    %reduce_sum3A_312 = vector.shape_cast %mul3A_311 : vector<256x256xf32> to vector<1x256x256xf32>
    %reduce_sum3A_313 = arith.constant dense<0.000000e+00> : vector<1xf32>
    %reduce_sum3A_314 = vector.multi_reduction <add>, %reduce_sum3A_312, %reduce_sum3A_313 [1, 2] : vector<1x256x256xf32> to vector<1xf32>
    %reduce_sum3A_315 = vector.shape_cast %reduce_sum3A_314 : vector<1xf32> to vector<1x1x1xf32>
    %reduce_sum3A_316 = vector.extract %reduce_sum3A_315[0, 0, 0] : f32 from vector<1x1x1xf32>
    %mul3A_317 = arith.mulf %reduce_sum3A_310, %reduce_sum3A_310 : f32
    %mul3A_318 = arith.constant 1.52587891E-5 : f32
    %mul3A_319 = arith.mulf %mul3A_317, %mul3A_318 : f32
    %sub3A_320 = arith.subf %reduce_sum3A_316, %mul3A_319 : f32
    %mul3A_321 = arith.constant 1.52590219E-5 : f32
    %mul3A_322 = arith.mulf %sub3A_320, %mul3A_321 : f32
    %broadcast_in_dim3A_323 = arith.constant 0.000000e+00 : f32
    %broadcast_in_dim3A_324 = vector.broadcast %broadcast_in_dim3A_323 : f32 to vector<1x256xf32>
    %broadcast_in_dim3A_325 = arith.constant 0.000000e+00 : f32
    %broadcast_in_dim3A_326 = vector.broadcast %broadcast_in_dim3A_325 : f32 to vector<256x1xf32>
    %slice3A_327 = vector.extract_strided_slice %get3A_305 {offsets = [1, 0], sizes = [255, 256], strides = [1, 1]} : vector<256x256xf32> to vector<255x256xf32>
    %concatenate3A_328 = tpu.concatenate %slice3A_327, %broadcast_in_dim3A_324 in 0 : vector<255x256xf32>, vector<1x256xf32> -> vector<256x256xf32>
    %slice3A_329 = vector.extract_strided_slice %get3A_305 {offsets = [0, 0], sizes = [255, 256], strides = [1, 1]} : vector<256x256xf32> to vector<255x256xf32>
    %concatenate3A_330 = tpu.concatenate %broadcast_in_dim3A_324, %slice3A_329 in 0 : vector<1x256xf32>, vector<255x256xf32> -> vector<256x256xf32>
    %mul3A_331 = arith.constant 2.000000e+00 : f32
    %mul3A_332 = vector.broadcast %mul3A_331 : f32 to vector<256x256xf32>
    %mul3A_333 = arith.mulf %mul3A_332, %get3A_305 : vector<256x256xf32>
    %add3A_334 = arith.addf %concatenate3A_330, %mul3A_333 : vector<256x256xf32>
    %add3A_335 = arith.addf %add3A_334, %concatenate3A_328 : vector<256x256xf32>
    %sub3A_336 = arith.subf %concatenate3A_328, %concatenate3A_330 : vector<256x256xf32>
    %slice3A_337 = vector.extract_strided_slice %add3A_335 {offsets = [0, 1], sizes = [256, 255], strides = [1, 1]} : vector<256x256xf32> to vector<256x255xf32>
    %concatenate3A_338 = tpu.concatenate %slice3A_337, %broadcast_in_dim3A_326 in 1 : vector<256x255xf32>, vector<256x1xf32> -> vector<256x256xf32>
    %slice3A_339 = vector.extract_strided_slice %add3A_335 {offsets = [0, 0], sizes = [256, 255], strides = [1, 1]} : vector<256x256xf32> to vector<256x255xf32>
    %concatenate3A_340 = tpu.concatenate %broadcast_in_dim3A_326, %slice3A_339 in 1 : vector<256x1xf32>, vector<256x255xf32> -> vector<256x256xf32>
    %sub3A_341 = arith.subf %concatenate3A_338, %concatenate3A_340 : vector<256x256xf32>
    %slice3A_342 = vector.extract_strided_slice %sub3A_336 {offsets = [0, 1], sizes = [256, 255], strides = [1, 1]} : vector<256x256xf32> to vector<256x255xf32>
    %concatenate3A_343 = tpu.concatenate %slice3A_342, %broadcast_in_dim3A_326 in 1 : vector<256x255xf32>, vector<256x1xf32> -> vector<256x256xf32>
    %slice3A_344 = vector.extract_strided_slice %sub3A_336 {offsets = [0, 0], sizes = [256, 255], strides = [1, 1]} : vector<256x256xf32> to vector<256x255xf32>
    %concatenate3A_345 = tpu.concatenate %broadcast_in_dim3A_326, %slice3A_344 in 1 : vector<256x1xf32>, vector<256x255xf32> -> vector<256x256xf32>
    %mul3A_346 = arith.constant 2.000000e+00 : f32
    %mul3A_347 = vector.broadcast %mul3A_346 : f32 to vector<256x256xf32>
    %mul3A_348 = arith.mulf %mul3A_347, %sub3A_336 : vector<256x256xf32>
    %add3A_349 = arith.addf %concatenate3A_343, %mul3A_348 : vector<256x256xf32>
    %add3A_350 = arith.addf %add3A_349, %concatenate3A_345 : vector<256x256xf32>
    %abs3A_351 = math.absf %sub3A_341 : vector<256x256xf32>
    %reduce_max3A_352 = vector.shape_cast %abs3A_351 : vector<256x256xf32> to vector<1x256x256xf32>
    %reduce_max3A_353 = arith.constant dense<0xFF800000> : vector<1xf32>
    %reduce_max3A_354 = vector.multi_reduction <maximumf>, %reduce_max3A_352, %reduce_max3A_353 [1, 2] : vector<1x256x256xf32> to vector<1xf32>
    %reduce_max3A_355 = vector.shape_cast %reduce_max3A_354 : vector<1xf32> to vector<1x1x1xf32>
    %reduce_max3A_356 = vector.extract %reduce_max3A_355[0, 0, 0] : f32 from vector<1x1x1xf32>
    %abs3A_357 = math.absf %add3A_350 : vector<256x256xf32>
    %reduce_max3A_358 = vector.shape_cast %abs3A_357 : vector<256x256xf32> to vector<1x256x256xf32>
    %reduce_max3A_359 = arith.constant dense<0xFF800000> : vector<1xf32>
    %reduce_max3A_360 = vector.multi_reduction <maximumf>, %reduce_max3A_358, %reduce_max3A_359 [1, 2] : vector<1x256x256xf32> to vector<1xf32>
    %reduce_max3A_361 = vector.shape_cast %reduce_max3A_360 : vector<1xf32> to vector<1x1x1xf32>
    %reduce_max3A_362 = vector.extract %reduce_max3A_361[0, 0, 0] : f32 from vector<1x1x1xf32>
    %max3A_363 = arith.maximumf %reduce_max3A_356, %reduce_max3A_362 : f32
    %broadcast_in_dim3A_364 = vector.broadcast %mul3A_322 : f32 to vector<128xf32>
    %swap3A_365 = arith.constant 4 : index
    %swap3A_366 = arith.constant 0 : index
    %swap3A_367 = arith.constant 0 : index
    %swap3A_368 = vector.load %arg2[%swap3A_365, %swap3A_366, %swap3A_367] : memref<8x1x128xf32, #tpu.memory_space<vmem>>, vector<1x1x128xf32>
    %swap3A_369 = vector.shape_cast %swap3A_368 : vector<1x1x128xf32> to vector<128xf32>
    %swap3A_370 = vector.shape_cast %broadcast_in_dim3A_364 : vector<128xf32> to vector<1x1x128xf32>
    tpu.vector_store %arg2[%swap3A_365, %swap3A_366, %swap3A_367], %swap3A_370 {strides = array<i32>} : memref<8x1x128xf32, #tpu.memory_space<vmem>>, vector<1x1x128xf32>,
    %broadcast_in_dim3A_371 = vector.broadcast %max3A_363 : f32 to vector<128xf32>
    %swap3A_372 = arith.constant 4 : index
    %swap3A_373 = arith.constant 0 : index
    %swap3A_374 = arith.constant 0 : index
    %swap3A_375 = vector.load %arg3[%swap3A_372, %swap3A_373, %swap3A_374] : memref<8x1x128xf32, #tpu.memory_space<vmem>>, vector<1x1x128xf32>
    %swap3A_376 = vector.shape_cast %swap3A_375 : vector<1x1x128xf32> to vector<128xf32>
    %swap3A_377 = vector.shape_cast %broadcast_in_dim3A_371 : vector<128xf32> to vector<1x1x128xf32>
    tpu.vector_store %arg3[%swap3A_372, %swap3A_373, %swap3A_374], %swap3A_377 {strides = array<i32>} : memref<8x1x128xf32, #tpu.memory_space<vmem>>, vector<1x1x128xf32>,
    %get3A_378 = arith.constant 5 : index
    %get3A_379 = arith.constant 0 : index
    %get3A_380 = arith.constant 0 : index
    %get3A_381 = arith.constant 0 : index
    %get3A_382 = vector.load %arg1[%get3A_378, %get3A_379, %get3A_380, %get3A_381] : memref<8x1x256x256xf32, #tpu.memory_space<vmem>>, vector<1x1x256x256xf32>
    %get3A_383 = vector.shape_cast %get3A_382 : vector<1x1x256x256xf32> to vector<256x256xf32>
    %reduce_sum3A_384 = vector.shape_cast %get3A_383 : vector<256x256xf32> to vector<1x256x256xf32>
    %reduce_sum3A_385 = arith.constant dense<0.000000e+00> : vector<1xf32>
    %reduce_sum3A_386 = vector.multi_reduction <add>, %reduce_sum3A_384, %reduce_sum3A_385 [1, 2] : vector<1x256x256xf32> to vector<1xf32>
    %reduce_sum3A_387 = vector.shape_cast %reduce_sum3A_386 : vector<1xf32> to vector<1x1x1xf32>
    %reduce_sum3A_388 = vector.extract %reduce_sum3A_387[0, 0, 0] : f32 from vector<1x1x1xf32>
    %mul3A_389 = arith.mulf %get3A_383, %get3A_383 : vector<256x256xf32>
    %reduce_sum3A_390 = vector.shape_cast %mul3A_389 : vector<256x256xf32> to vector<1x256x256xf32>
    %reduce_sum3A_391 = arith.constant dense<0.000000e+00> : vector<1xf32>
    %reduce_sum3A_392 = vector.multi_reduction <add>, %reduce_sum3A_390, %reduce_sum3A_391 [1, 2] : vector<1x256x256xf32> to vector<1xf32>
    %reduce_sum3A_393 = vector.shape_cast %reduce_sum3A_392 : vector<1xf32> to vector<1x1x1xf32>
    %reduce_sum3A_394 = vector.extract %reduce_sum3A_393[0, 0, 0] : f32 from vector<1x1x1xf32>
    %mul3A_395 = arith.mulf %reduce_sum3A_388, %reduce_sum3A_388 : f32
    %mul3A_396 = arith.constant 1.52587891E-5 : f32
    %mul3A_397 = arith.mulf %mul3A_395, %mul3A_396 : f32
    %sub3A_398 = arith.subf %reduce_sum3A_394, %mul3A_397 : f32
    %mul3A_399 = arith.constant 1.52590219E-5 : f32
    %mul3A_400 = arith.mulf %sub3A_398, %mul3A_399 : f32
    %broadcast_in_dim3A_401 = arith.constant 0.000000e+00 : f32
    %broadcast_in_dim3A_402 = vector.broadcast %broadcast_in_dim3A_401 : f32 to vector<1x256xf32>
    %broadcast_in_dim3A_403 = arith.constant 0.000000e+00 : f32
    %broadcast_in_dim3A_404 = vector.broadcast %broadcast_in_dim3A_403 : f32 to vector<256x1xf32>
    %slice3A_405 = vector.extract_strided_slice %get3A_383 {offsets = [1, 0], sizes = [255, 256], strides = [1, 1]} : vector<256x256xf32> to vector<255x256xf32>
    %concatenate3A_406 = tpu.concatenate %slice3A_405, %broadcast_in_dim3A_402 in 0 : vector<255x256xf32>, vector<1x256xf32> -> vector<256x256xf32>
    %slice3A_407 = vector.extract_strided_slice %get3A_383 {offsets = [0, 0], sizes = [255, 256], strides = [1, 1]} : vector<256x256xf32> to vector<255x256xf32>
    %concatenate3A_408 = tpu.concatenate %broadcast_in_dim3A_402, %slice3A_407 in 0 : vector<1x256xf32>, vector<255x256xf32> -> vector<256x256xf32>
    %mul3A_409 = arith.constant 2.000000e+00 : f32
    %mul3A_410 = vector.broadcast %mul3A_409 : f32 to vector<256x256xf32>
    %mul3A_411 = arith.mulf %mul3A_410, %get3A_383 : vector<256x256xf32>
    %add3A_412 = arith.addf %concatenate3A_408, %mul3A_411 : vector<256x256xf32>
    %add3A_413 = arith.addf %add3A_412, %concatenate3A_406 : vector<256x256xf32>
    %sub3A_414 = arith.subf %concatenate3A_406, %concatenate3A_408 : vector<256x256xf32>
    %slice3A_415 = vector.extract_strided_slice %add3A_413 {offsets = [0, 1], sizes = [256, 255], strides = [1, 1]} : vector<256x256xf32> to vector<256x255xf32>
    %concatenate3A_416 = tpu.concatenate %slice3A_415, %broadcast_in_dim3A_404 in 1 : vector<256x255xf32>, vector<256x1xf32> -> vector<256x256xf32>
    %slice3A_417 = vector.extract_strided_slice %add3A_413 {offsets = [0, 0], sizes = [256, 255], strides = [1, 1]} : vector<256x256xf32> to vector<256x255xf32>
    %concatenate3A_418 = tpu.concatenate %broadcast_in_dim3A_404, %slice3A_417 in 1 : vector<256x1xf32>, vector<256x255xf32> -> vector<256x256xf32>
    %sub3A_419 = arith.subf %concatenate3A_416, %concatenate3A_418 : vector<256x256xf32>
    %slice3A_420 = vector.extract_strided_slice %sub3A_414 {offsets = [0, 1], sizes = [256, 255], strides = [1, 1]} : vector<256x256xf32> to vector<256x255xf32>
    %concatenate3A_421 = tpu.concatenate %slice3A_420, %broadcast_in_dim3A_404 in 1 : vector<256x255xf32>, vector<256x1xf32> -> vector<256x256xf32>
    %slice3A_422 = vector.extract_strided_slice %sub3A_414 {offsets = [0, 0], sizes = [256, 255], strides = [1, 1]} : vector<256x256xf32> to vector<256x255xf32>
    %concatenate3A_423 = tpu.concatenate %broadcast_in_dim3A_404, %slice3A_422 in 1 : vector<256x1xf32>, vector<256x255xf32> -> vector<256x256xf32>
    %mul3A_424 = arith.constant 2.000000e+00 : f32
    %mul3A_425 = vector.broadcast %mul3A_424 : f32 to vector<256x256xf32>
    %mul3A_426 = arith.mulf %mul3A_425, %sub3A_414 : vector<256x256xf32>
    %add3A_427 = arith.addf %concatenate3A_421, %mul3A_426 : vector<256x256xf32>
    %add3A_428 = arith.addf %add3A_427, %concatenate3A_423 : vector<256x256xf32>
    %abs3A_429 = math.absf %sub3A_419 : vector<256x256xf32>
    %reduce_max3A_430 = vector.shape_cast %abs3A_429 : vector<256x256xf32> to vector<1x256x256xf32>
    %reduce_max3A_431 = arith.constant dense<0xFF800000> : vector<1xf32>
    %reduce_max3A_432 = vector.multi_reduction <maximumf>, %reduce_max3A_430, %reduce_max3A_431 [1, 2] : vector<1x256x256xf32> to vector<1xf32>
    %reduce_max3A_433 = vector.shape_cast %reduce_max3A_432 : vector<1xf32> to vector<1x1x1xf32>
    %reduce_max3A_434 = vector.extract %reduce_max3A_433[0, 0, 0] : f32 from vector<1x1x1xf32>
    %abs3A_435 = math.absf %add3A_428 : vector<256x256xf32>
    %reduce_max3A_436 = vector.shape_cast %abs3A_435 : vector<256x256xf32> to vector<1x256x256xf32>
    %reduce_max3A_437 = arith.constant dense<0xFF800000> : vector<1xf32>
    %reduce_max3A_438 = vector.multi_reduction <maximumf>, %reduce_max3A_436, %reduce_max3A_437 [1, 2] : vector<1x256x256xf32> to vector<1xf32>
    %reduce_max3A_439 = vector.shape_cast %reduce_max3A_438 : vector<1xf32> to vector<1x1x1xf32>
    %reduce_max3A_440 = vector.extract %reduce_max3A_439[0, 0, 0] : f32 from vector<1x1x1xf32>
    %max3A_441 = arith.maximumf %reduce_max3A_434, %reduce_max3A_440 : f32
    %broadcast_in_dim3A_442 = vector.broadcast %mul3A_400 : f32 to vector<128xf32>
    %swap3A_443 = arith.constant 5 : index
    %swap3A_444 = arith.constant 0 : index
    %swap3A_445 = arith.constant 0 : index
    %swap3A_446 = vector.load %arg2[%swap3A_443, %swap3A_444, %swap3A_445] : memref<8x1x128xf32, #tpu.memory_space<vmem>>, vector<1x1x128xf32>
    %swap3A_447 = vector.shape_cast %swap3A_446 : vector<1x1x128xf32> to vector<128xf32>
    %swap3A_448 = vector.shape_cast %broadcast_in_dim3A_442 : vector<128xf32> to vector<1x1x128xf32>
    tpu.vector_store %arg2[%swap3A_443, %swap3A_444, %swap3A_445], %swap3A_448 {strides = array<i32>} : memref<8x1x128xf32, #tpu.memory_space<vmem>>, vector<1x1x128xf32>,
    %broadcast_in_dim3A_449 = vector.broadcast %max3A_441 : f32 to vector<128xf32>
    %swap3A_450 = arith.constant 5 : index
    %swap3A_451 = arith.constant 0 : index
    %swap3A_452 = arith.constant 0 : index
    %swap3A_453 = vector.load %arg3[%swap3A_450, %swap3A_451, %swap3A_452] : memref<8x1x128xf32, #tpu.memory_space<vmem>>, vector<1x1x128xf32>
    %swap3A_454 = vector.shape_cast %swap3A_453 : vector<1x1x128xf32> to vector<128xf32>
    %swap3A_455 = vector.shape_cast %broadcast_in_dim3A_449 : vector<128xf32> to vector<1x1x128xf32>
    tpu.vector_store %arg3[%swap3A_450, %swap3A_451, %swap3A_452], %swap3A_455 {strides = array<i32>} : memref<8x1x128xf32, #tpu.memory_space<vmem>>, vector<1x1x128xf32>,
    %get3A_456 = arith.constant 6 : index
    %get3A_457 = arith.constant 0 : index
    %get3A_458 = arith.constant 0 : index
    %get3A_459 = arith.constant 0 : index
    %get3A_460 = vector.load %arg1[%get3A_456, %get3A_457, %get3A_458, %get3A_459] : memref<8x1x256x256xf32, #tpu.memory_space<vmem>>, vector<1x1x256x256xf32>
    %get3A_461 = vector.shape_cast %get3A_460 : vector<1x1x256x256xf32> to vector<256x256xf32>
    %reduce_sum3A_462 = vector.shape_cast %get3A_461 : vector<256x256xf32> to vector<1x256x256xf32>
    %reduce_sum3A_463 = arith.constant dense<0.000000e+00> : vector<1xf32>
    %reduce_sum3A_464 = vector.multi_reduction <add>, %reduce_sum3A_462, %reduce_sum3A_463 [1, 2] : vector<1x256x256xf32> to vector<1xf32>
    %reduce_sum3A_465 = vector.shape_cast %reduce_sum3A_464 : vector<1xf32> to vector<1x1x1xf32>
    %reduce_sum3A_466 = vector.extract %reduce_sum3A_465[0, 0, 0] : f32 from vector<1x1x1xf32>
    %mul3A_467 = arith.mulf %get3A_461, %get3A_461 : vector<256x256xf32>
    %reduce_sum3A_468 = vector.shape_cast %mul3A_467 : vector<256x256xf32> to vector<1x256x256xf32>
    %reduce_sum3A_469 = arith.constant dense<0.000000e+00> : vector<1xf32>
    %reduce_sum3A_470 = vector.multi_reduction <add>, %reduce_sum3A_468, %reduce_sum3A_469 [1, 2] : vector<1x256x256xf32> to vector<1xf32>
    %reduce_sum3A_471 = vector.shape_cast %reduce_sum3A_470 : vector<1xf32> to vector<1x1x1xf32>
    %reduce_sum3A_472 = vector.extract %reduce_sum3A_471[0, 0, 0] : f32 from vector<1x1x1xf32>
    %mul3A_473 = arith.mulf %reduce_sum3A_466, %reduce_sum3A_466 : f32
    %mul3A_474 = arith.constant 1.52587891E-5 : f32
    %mul3A_475 = arith.mulf %mul3A_473, %mul3A_474 : f32
    %sub3A_476 = arith.subf %reduce_sum3A_472, %mul3A_475 : f32
    %mul3A_477 = arith.constant 1.52590219E-5 : f32
    %mul3A_478 = arith.mulf %sub3A_476, %mul3A_477 : f32
    %broadcast_in_dim3A_479 = arith.constant 0.000000e+00 : f32
    %broadcast_in_dim3A_480 = vector.broadcast %broadcast_in_dim3A_479 : f32 to vector<1x256xf32>
    %broadcast_in_dim3A_481 = arith.constant 0.000000e+00 : f32
    %broadcast_in_dim3A_482 = vector.broadcast %broadcast_in_dim3A_481 : f32 to vector<256x1xf32>
    %slice3A_483 = vector.extract_strided_slice %get3A_461 {offsets = [1, 0], sizes = [255, 256], strides = [1, 1]} : vector<256x256xf32> to vector<255x256xf32>
    %concatenate3A_484 = tpu.concatenate %slice3A_483, %broadcast_in_dim3A_480 in 0 : vector<255x256xf32>, vector<1x256xf32> -> vector<256x256xf32>
    %slice3A_485 = vector.extract_strided_slice %get3A_461 {offsets = [0, 0], sizes = [255, 256], strides = [1, 1]} : vector<256x256xf32> to vector<255x256xf32>
    %concatenate3A_486 = tpu.concatenate %broadcast_in_dim3A_480, %slice3A_485 in 0 : vector<1x256xf32>, vector<255x256xf32> -> vector<256x256xf32>
    %mul3A_487 = arith.constant 2.000000e+00 : f32
    %mul3A_488 = vector.broadcast %mul3A_487 : f32 to vector<256x256xf32>
    %mul3A_489 = arith.mulf %mul3A_488, %get3A_461 : vector<256x256xf32>
    %add3A_490 = arith.addf %concatenate3A_486, %mul3A_489 : vector<256x256xf32>
    %add3A_491 = arith.addf %add3A_490, %concatenate3A_484 : vector<256x256xf32>
    %sub3A_492 = arith.subf %concatenate3A_484, %concatenate3A_486 : vector<256x256xf32>
    %slice3A_493 = vector.extract_strided_slice %add3A_491 {offsets = [0, 1], sizes = [256, 255], strides = [1, 1]} : vector<256x256xf32> to vector<256x255xf32>
    %concatenate3A_494 = tpu.concatenate %slice3A_493, %broadcast_in_dim3A_482 in 1 : vector<256x255xf32>, vector<256x1xf32> -> vector<256x256xf32>
    %slice3A_495 = vector.extract_strided_slice %add3A_491 {offsets = [0, 0], sizes = [256, 255], strides = [1, 1]} : vector<256x256xf32> to vector<256x255xf32>
    %concatenate3A_496 = tpu.concatenate %broadcast_in_dim3A_482, %slice3A_495 in 1 : vector<256x1xf32>, vector<256x255xf32> -> vector<256x256xf32>
    %sub3A_497 = arith.subf %concatenate3A_494, %concatenate3A_496 : vector<256x256xf32>
    %slice3A_498 = vector.extract_strided_slice %sub3A_492 {offsets = [0, 1], sizes = [256, 255], strides = [1, 1]} : vector<256x256xf32> to vector<256x255xf32>
    %concatenate3A_499 = tpu.concatenate %slice3A_498, %broadcast_in_dim3A_482 in 1 : vector<256x255xf32>, vector<256x1xf32> -> vector<256x256xf32>
    %slice3A_500 = vector.extract_strided_slice %sub3A_492 {offsets = [0, 0], sizes = [256, 255], strides = [1, 1]} : vector<256x256xf32> to vector<256x255xf32>
    %concatenate3A_501 = tpu.concatenate %broadcast_in_dim3A_482, %slice3A_500 in 1 : vector<256x1xf32>, vector<256x255xf32> -> vector<256x256xf32>
    %mul3A_502 = arith.constant 2.000000e+00 : f32
    %mul3A_503 = vector.broadcast %mul3A_502 : f32 to vector<256x256xf32>
    %mul3A_504 = arith.mulf %mul3A_503, %sub3A_492 : vector<256x256xf32>
    %add3A_505 = arith.addf %concatenate3A_499, %mul3A_504 : vector<256x256xf32>
    %add3A_506 = arith.addf %add3A_505, %concatenate3A_501 : vector<256x256xf32>
    %abs3A_507 = math.absf %sub3A_497 : vector<256x256xf32>
    %reduce_max3A_508 = vector.shape_cast %abs3A_507 : vector<256x256xf32> to vector<1x256x256xf32>
    %reduce_max3A_509 = arith.constant dense<0xFF800000> : vector<1xf32>
    %reduce_max3A_510 = vector.multi_reduction <maximumf>, %reduce_max3A_508, %reduce_max3A_509 [1, 2] : vector<1x256x256xf32> to vector<1xf32>
    %reduce_max3A_511 = vector.shape_cast %reduce_max3A_510 : vector<1xf32> to vector<1x1x1xf32>
    %reduce_max3A_512 = vector.extract %reduce_max3A_511[0, 0, 0] : f32 from vector<1x1x1xf32>
    %abs3A_513 = math.absf %add3A_506 : vector<256x256xf32>
    %reduce_max3A_514 = vector.shape_cast %abs3A_513 : vector<256x256xf32> to vector<1x256x256xf32>
    %reduce_max3A_515 = arith.constant dense<0xFF800000> : vector<1xf32>
    %reduce_max3A_516 = vector.multi_reduction <maximumf>, %reduce_max3A_514, %reduce_max3A_515 [1, 2] : vector<1x256x256xf32> to vector<1xf32>
    %reduce_max3A_517 = vector.shape_cast %reduce_max3A_516 : vector<1xf32> to vector<1x1x1xf32>
    %reduce_max3A_518 = vector.extract %reduce_max3A_517[0, 0, 0] : f32 from vector<1x1x1xf32>
    %max3A_519 = arith.maximumf %reduce_max3A_512, %reduce_max3A_518 : f32
    %broadcast_in_dim3A_520 = vector.broadcast %mul3A_478 : f32 to vector<128xf32>
    %swap3A_521 = arith.constant 6 : index
    %swap3A_522 = arith.constant 0 : index
    %swap3A_523 = arith.constant 0 : index
    %swap3A_524 = vector.load %arg2[%swap3A_521, %swap3A_522, %swap3A_523] : memref<8x1x128xf32, #tpu.memory_space<vmem>>, vector<1x1x128xf32>
    %swap3A_525 = vector.shape_cast %swap3A_524 : vector<1x1x128xf32> to vector<128xf32>
    %swap3A_526 = vector.shape_cast %broadcast_in_dim3A_520 : vector<128xf32> to vector<1x1x128xf32>
    tpu.vector_store %arg2[%swap3A_521, %swap3A_522, %swap3A_523], %swap3A_526 {strides = array<i32>} : memref<8x1x128xf32, #tpu.memory_space<vmem>>, vector<1x1x128xf32>,
    %broadcast_in_dim3A_527 = vector.broadcast %max3A_519 : f32 to vector<128xf32>
    %swap3A_528 = arith.constant 6 : index
    %swap3A_529 = arith.constant 0 : index
    %swap3A_530 = arith.constant 0 : index
    %swap3A_531 = vector.load %arg3[%swap3A_528, %swap3A_529, %swap3A_530] : memref<8x1x128xf32, #tpu.memory_space<vmem>>, vector<1x1x128xf32>
    %swap3A_532 = vector.shape_cast %swap3A_531 : vector<1x1x128xf32> to vector<128xf32>
    %swap3A_533 = vector.shape_cast %broadcast_in_dim3A_527 : vector<128xf32> to vector<1x1x128xf32>
    tpu.vector_store %arg3[%swap3A_528, %swap3A_529, %swap3A_530], %swap3A_533 {strides = array<i32>} : memref<8x1x128xf32, #tpu.memory_space<vmem>>, vector<1x1x128xf32>,
    %get3A_534 = arith.constant 7 : index
    %get3A_535 = arith.constant 0 : index
    %get3A_536 = arith.constant 0 : index
    %get3A_537 = arith.constant 0 : index
    %get3A_538 = vector.load %arg1[%get3A_534, %get3A_535, %get3A_536, %get3A_537] : memref<8x1x256x256xf32, #tpu.memory_space<vmem>>, vector<1x1x256x256xf32>
    %get3A_539 = vector.shape_cast %get3A_538 : vector<1x1x256x256xf32> to vector<256x256xf32>
    %reduce_sum3A_540 = vector.shape_cast %get3A_539 : vector<256x256xf32> to vector<1x256x256xf32>
    %reduce_sum3A_541 = arith.constant dense<0.000000e+00> : vector<1xf32>
    %reduce_sum3A_542 = vector.multi_reduction <add>, %reduce_sum3A_540, %reduce_sum3A_541 [1, 2] : vector<1x256x256xf32> to vector<1xf32>
    %reduce_sum3A_543 = vector.shape_cast %reduce_sum3A_542 : vector<1xf32> to vector<1x1x1xf32>
    %reduce_sum3A_544 = vector.extract %reduce_sum3A_543[0, 0, 0] : f32 from vector<1x1x1xf32>
    %mul3A_545 = arith.mulf %get3A_539, %get3A_539 : vector<256x256xf32>
    %reduce_sum3A_546 = vector.shape_cast %mul3A_545 : vector<256x256xf32> to vector<1x256x256xf32>
    %reduce_sum3A_547 = arith.constant dense<0.000000e+00> : vector<1xf32>
    %reduce_sum3A_548 = vector.multi_reduction <add>, %reduce_sum3A_546, %reduce_sum3A_547 [1, 2] : vector<1x256x256xf32> to vector<1xf32>
    %reduce_sum3A_549 = vector.shape_cast %reduce_sum3A_548 : vector<1xf32> to vector<1x1x1xf32>
    %reduce_sum3A_550 = vector.extract %reduce_sum3A_549[0, 0, 0] : f32 from vector<1x1x1xf32>
    %mul3A_551 = arith.mulf %reduce_sum3A_544, %reduce_sum3A_544 : f32
    %mul3A_552 = arith.constant 1.52587891E-5 : f32
    %mul3A_553 = arith.mulf %mul3A_551, %mul3A_552 : f32
    %sub3A_554 = arith.subf %reduce_sum3A_550, %mul3A_553 : f32
    %mul3A_555 = arith.constant 1.52590219E-5 : f32
    %mul3A_556 = arith.mulf %sub3A_554, %mul3A_555 : f32
    %broadcast_in_dim3A_557 = arith.constant 0.000000e+00 : f32
    %broadcast_in_dim3A_558 = vector.broadcast %broadcast_in_dim3A_557 : f32 to vector<1x256xf32>
    %broadcast_in_dim3A_559 = arith.constant 0.000000e+00 : f32
    %broadcast_in_dim3A_560 = vector.broadcast %broadcast_in_dim3A_559 : f32 to vector<256x1xf32>
    %slice3A_561 = vector.extract_strided_slice %get3A_539 {offsets = [1, 0], sizes = [255, 256], strides = [1, 1]} : vector<256x256xf32> to vector<255x256xf32>
    %concatenate3A_562 = tpu.concatenate %slice3A_561, %broadcast_in_dim3A_558 in 0 : vector<255x256xf32>, vector<1x256xf32> -> vector<256x256xf32>
    %slice3A_563 = vector.extract_strided_slice %get3A_539 {offsets = [0, 0], sizes = [255, 256], strides = [1, 1]} : vector<256x256xf32> to vector<255x256xf32>
    %concatenate3A_564 = tpu.concatenate %broadcast_in_dim3A_558, %slice3A_563 in 0 : vector<1x256xf32>, vector<255x256xf32> -> vector<256x256xf32>
    %mul3A_565 = arith.constant 2.000000e+00 : f32
    %mul3A_566 = vector.broadcast %mul3A_565 : f32 to vector<256x256xf32>
    %mul3A_567 = arith.mulf %mul3A_566, %get3A_539 : vector<256x256xf32>
    %add3A_568 = arith.addf %concatenate3A_564, %mul3A_567 : vector<256x256xf32>
    %add3A_569 = arith.addf %add3A_568, %concatenate3A_562 : vector<256x256xf32>
    %sub3A_570 = arith.subf %concatenate3A_562, %concatenate3A_564 : vector<256x256xf32>
    %slice3A_571 = vector.extract_strided_slice %add3A_569 {offsets = [0, 1], sizes = [256, 255], strides = [1, 1]} : vector<256x256xf32> to vector<256x255xf32>
    %concatenate3A_572 = tpu.concatenate %slice3A_571, %broadcast_in_dim3A_560 in 1 : vector<256x255xf32>, vector<256x1xf32> -> vector<256x256xf32>
    %slice3A_573 = vector.extract_strided_slice %add3A_569 {offsets = [0, 0], sizes = [256, 255], strides = [1, 1]} : vector<256x256xf32> to vector<256x255xf32>
    %concatenate3A_574 = tpu.concatenate %broadcast_in_dim3A_560, %slice3A_573 in 1 : vector<256x1xf32>, vector<256x255xf32> -> vector<256x256xf32>
    %sub3A_575 = arith.subf %concatenate3A_572, %concatenate3A_574 : vector<256x256xf32>
    %slice3A_576 = vector.extract_strided_slice %sub3A_570 {offsets = [0, 1], sizes = [256, 255], strides = [1, 1]} : vector<256x256xf32> to vector<256x255xf32>
    %concatenate3A_577 = tpu.concatenate %slice3A_576, %broadcast_in_dim3A_560 in 1 : vector<256x255xf32>, vector<256x1xf32> -> vector<256x256xf32>
    %slice3A_578 = vector.extract_strided_slice %sub3A_570 {offsets = [0, 0], sizes = [256, 255], strides = [1, 1]} : vector<256x256xf32> to vector<256x255xf32>
    %concatenate3A_579 = tpu.concatenate %broadcast_in_dim3A_560, %slice3A_578 in 1 : vector<256x1xf32>, vector<256x255xf32> -> vector<256x256xf32>
    %mul3A_580 = arith.constant 2.000000e+00 : f32
    %mul3A_581 = vector.broadcast %mul3A_580 : f32 to vector<256x256xf32>
    %mul3A_582 = arith.mulf %mul3A_581, %sub3A_570 : vector<256x256xf32>
    %add3A_583 = arith.addf %concatenate3A_577, %mul3A_582 : vector<256x256xf32>
    %add3A_584 = arith.addf %add3A_583, %concatenate3A_579 : vector<256x256xf32>
    %abs3A_585 = math.absf %sub3A_575 : vector<256x256xf32>
    %reduce_max3A_586 = vector.shape_cast %abs3A_585 : vector<256x256xf32> to vector<1x256x256xf32>
    %reduce_max3A_587 = arith.constant dense<0xFF800000> : vector<1xf32>
    %reduce_max3A_588 = vector.multi_reduction <maximumf>, %reduce_max3A_586, %reduce_max3A_587 [1, 2] : vector<1x256x256xf32> to vector<1xf32>
    %reduce_max3A_589 = vector.shape_cast %reduce_max3A_588 : vector<1xf32> to vector<1x1x1xf32>
    %reduce_max3A_590 = vector.extract %reduce_max3A_589[0, 0, 0] : f32 from vector<1x1x1xf32>
    %abs3A_591 = math.absf %add3A_584 : vector<256x256xf32>
    %reduce_max3A_592 = vector.shape_cast %abs3A_591 : vector<256x256xf32> to vector<1x256x256xf32>
    %reduce_max3A_593 = arith.constant dense<0xFF800000> : vector<1xf32>
    %reduce_max3A_594 = vector.multi_reduction <maximumf>, %reduce_max3A_592, %reduce_max3A_593 [1, 2] : vector<1x256x256xf32> to vector<1xf32>
    %reduce_max3A_595 = vector.shape_cast %reduce_max3A_594 : vector<1xf32> to vector<1x1x1xf32>
    %reduce_max3A_596 = vector.extract %reduce_max3A_595[0, 0, 0] : f32 from vector<1x1x1xf32>
    %max3A_597 = arith.maximumf %reduce_max3A_590, %reduce_max3A_596 : f32
    %broadcast_in_dim3A_598 = vector.broadcast %mul3A_556 : f32 to vector<128xf32>
    %swap3A_599 = arith.constant 7 : index
    %swap3A_600 = arith.constant 0 : index
    %swap3A_601 = arith.constant 0 : index
    %swap3A_602 = vector.load %arg2[%swap3A_599, %swap3A_600, %swap3A_601] : memref<8x1x128xf32, #tpu.memory_space<vmem>>, vector<1x1x128xf32>
    %swap3A_603 = vector.shape_cast %swap3A_602 : vector<1x1x128xf32> to vector<128xf32>
    %swap3A_604 = vector.shape_cast %broadcast_in_dim3A_598 : vector<128xf32> to vector<1x1x128xf32>
    tpu.vector_store %arg2[%swap3A_599, %swap3A_600, %swap3A_601], %swap3A_604 {strides = array<i32>} : memref<8x1x128xf32, #tpu.memory_space<vmem>>, vector<1x1x128xf32>,
    %broadcast_in_dim3A_605 = vector.broadcast %max3A_597 : f32 to vector<128xf32>
    %swap3A_606 = arith.constant 7 : index
    %swap3A_607 = arith.constant 0 : index
    %swap3A_608 = arith.constant 0 : index
    %swap3A_609 = vector.load %arg3[%swap3A_606, %swap3A_607, %swap3A_608] : memref<8x1x128xf32, #tpu.memory_space<vmem>>, vector<1x1x128xf32>
    %swap3A_610 = vector.shape_cast %swap3A_609 : vector<1x1x128xf32> to vector<128xf32>
    %swap3A_611 = vector.shape_cast %broadcast_in_dim3A_605 : vector<128xf32> to vector<1x1x128xf32>
    tpu.vector_store %arg3[%swap3A_606, %swap3A_607, %swap3A_608], %swap3A_611 {strides = array<i32>} : memref<8x1x128xf32, #tpu.memory_space<vmem>>, vector<1x1x128xf32>,
    return
  }
  func.func @transform_0(%arg0: i32) -> (i32, i32, i32, i32) {
    %c0_i32 = arith.constant 0 : i32
    %c0_i32_0 = arith.constant 0 : i32
    %c0_i32_1 = arith.constant 0 : i32
    %c0_i32_2 = arith.constant 0 : i32
    return %arg0, %c0_i32, %c0_i32_0, %c0_i32_1 : i32, i32, i32, i32
  }
  func.func @transform_1(%arg0: i32) -> (i32, i32, i32) {
    %c0_i32 = arith.constant 0 : i32
    %c0_i32_0 = arith.constant 0 : i32
    %c0_i32_1 = arith.constant 0 : i32
    return %arg0, %c0_i32, %c0_i32_0 : i32, i32, i32
  }
  func.func @transform_2(%arg0: i32) -> (i32, i32, i32) {
    %c0_i32 = arith.constant 0 : i32
    %c0_i32_0 = arith.constant 0 : i32
    %c0_i32_1 = arith.constant 0 : i32
    return %arg0, %c0_i32, %c0_i32_0 : i32, i32, i32
  }
}

</mosaic_0001>

<sc_bundles>
// kernel: kernel.5.cloned.1.call-start
scs
__scs_entry_jumppad:
0x0: {  	(pc) =	sbr.rel $0x88, $3  }
0x1: {  	(tag) =	ssettag $0x0;
	lr =	simm.s32 $0x1  }
0x2: {  	[smem:$0x3FA0] =	sst lr;
	_ =	strace $0xD0000000  }
0x3: {  	_ = 	snop  }
0x4: {  	_ = 	snop  }
0x5: {  	_ = 	snop  }
0x6: {  	_ = 	snop  }
0x7: {  	_ = 	snop  }
__scs_overlays_trampoline_lowered:
0x8: {  	[smem:$0x3FAF] =	sst s0  }
0x9: {  	[smem:$0x3FB0] =	sst s1  }
0xa: {  	[smem:$0x3FB1] =	sst s2  }
0xb: {  	[smem:$0x3FB2] =	sst s3  }
0xc: {  	[smem:$0x3FB3] =	sst s4  }
0xd: {  	[smem:$0x3FB4] =	sst s5  }
0xe: {  	[smem:$0x3FB5] =	sst s6  }
0xf: {  	[smem:$0x3FB6] =	sst s7  }
0x10: {  	[smem:$0x3FB7] =	sst s8  }
0x11: {  	[smem:$0x3FB8] =	sst s9;
	s0 =	simm.s32 @!p0 $0x0  }
0x12: {  	s1 =	sld [smem:$0x3F9E];
	s0 =	simm.s32 @p0 $0x1  }
0x13: {  	[smem:$0x3FB9] =	sst s0;
	s0 =	simm.s32 @!p1 $0x0  }
0x14: {  	s2 =	sld [smem:$0x3F9D];
	s0 =	simm.s32 @p1 $0x1  }
0x15: {  	[smem:$0x3FBA] =	sst s0;
	s0 =	simm.s32 @!p2 $0x0  }
0x16: {  	s3 =	sld [smem:$0x3FDB];
	s0 =	simm.s32 @p2 $0x1  }
0x17: {  	s4 =	simm.s32 $0x1BF5;
	[smem:$0x3FBC] =	sst s0  }
0x18: {  	s0 =	sld [smem:$0x3F9F];
	_ =	swait.ge [sflag:s4], $0x0  }
0x19: {  	s7 =	sld [smem:$0x3FA0]  }
0x1a: {  	s8 =	sadd.s32 $0xFFFFE003, lr  }
0x1b: {  	s9 =	sadd.s32 $0xFFFFFEF7, lr;
	s5 =	simm.s32 $0xFFFFFFFF;
	p2 =	slt.u32 s8, $0xFFFFF086  }
0x1c: {  	p1 =	slt.u32 s9, $0xF7A;
	s5 =	simm.s32 @!p2 $0x0  }
0x1d: {  	s5 =	simm.s32 @p1 $0x1;
	p0 =	seq.s32 s7, s2  }
0x1e: {  	s7 =	smul.u32 @!p0 $0xF7A, s2;
	p2 =	seq.s32 @!p0 s5, $0x0  }
0x1f: {  	s9 =	smul.u32 $0xF7A, s1;
	s8 =	simm.s32 @!p0 $0x1BF5;
	p2 =	por !p2, p0  }
0x20: {  	[sflag:s8] =	ssyncset.s32 @!p0 $0xFFFFF086;
	s6 =	sadd.s32 @!p0 s3, s7;
	s7 =	simm.s32 @!p0 $0x108  }
0x21: {  	s3 =	sadd.s32 s3, s9;
	s6 =	sadd.s32 @!p0 $0x88, s6;
	s7 =	simm.s32 @p2 $0x1082  }
0x22: {  	[simem:s7], [sflag:s8] =	dma.local @!p0 [hbm:s6], $0xF7A  }
0x23: {  	s9 =	sor.u32 $0xD0000000, s2;
	s6 =	simm.s32 $0x108;
	_ =	swait.ge @!p0 [sflag:s8], $0x0  }
0x24: {  	s3 =	sadd.s32 $0x88, s3;
	s6 =	simm.s32 @!p1 $0x1082;
	[sflag:s4] =	ssyncset.s32 $0xFFFFF086  }
0x25: {  	[simem:s6], [sflag:s4] =	dma.local [hbm:s3], $0xF7A  }
0x26: {  	[smem:$0x3FA0] =	sst s1;
	(tag) =	ssettag s2;
	_ =	strace s9  }
0x27: {  	s1 =	sld [smem:$0x3FB0]  }
0x28: {  	s2 =	sld [smem:$0x3FB1]  }
0x29: {  	s4 =	sld [smem:$0x3FB3]  }
0x2a: {  	p0 =	seq.s32 s5, $0x0;
	s5 =	sld [smem:$0x3FB4]  }
0x2b: {  	s6 =	sld [smem:$0x3FB5]  }
0x2c: {  	s7 =	sld [smem:$0x3FB6]  }
0x2d: {  	s3 =	simm.s32 $0x108;
	s8 =	sld [smem:$0x3FB7]  }
0x2e: {  	s3 =	simm.s32 @!p0 $0x1082;
	s9 =	sld [smem:$0x3FB8]  }
0x2f: {  	lr =	sadd.s32 s0, s3;
	s0 =	sld [smem:$0x3FAF]  }
0x30: {  	s3 =	sld [smem:$0x3FB2]  }
0x31: {  	[smem:$0x3FBB] =	sst s10  }
0x32: {  	s10 =	sld [smem:$0x3FB9];
	_ =	sdelay $0x3  }
0x33: {  	p0 =	seq.s32 s10, $0x1;
	s10 =	sld [smem:$0x3FBB];
	_ =	sdelay $0x3  }
0x34: {  	[smem:$0x3FBB] =	sst s10  }
0x35: {  	s10 =	sld [smem:$0x3FBA];
	_ =	sdelay $0x3  }
0x36: {  	p1 =	seq.s32 s10, $0x1;
	s10 =	sld [smem:$0x3FBB];
	_ =	sdelay $0x3  }
0x37: {  	[smem:$0x3FBB] =	sst s10  }
0x38: {  	s10 =	sld [smem:$0x3FBC]  }
0x39: {  	_ = 	snop;
	(pc) =	sbr.ind lr, $3  }
0x3a: {  	_ = 	snop  }
0x3b: {  	_ = 	snop  }
0x3c: {  	p2 =	seq.s32 s10, $0x1;
	s10 =	sld [smem:$0x3FBB]  }
0x3d: {  	_ =	shalt  }
0x3e: {  	_ =	shalt  }
0x3f: {  	_ =	shalt  }
0x40: {  	_ =	shalt  }
0x41: {  	_ =	shalt  }
0x42: {  	_ =	shalt  }
0x43: {  	_ =	shalt  }
0x44: {  	_ =	shalt  }
0x45: {  	_ =	shalt  }
0x46: {  	_ =	shalt  }
0x47: {  	_ =	shalt  }
0x48: {  	_ =	shalt  }
0x49: {  	_ =	shalt  }
0x4a: {  	_ =	shalt  }
0x4b: {  	_ =	shalt  }
0x4c: {  	_ =	shalt  }
0x4d: {  	_ =	shalt  }
0x4e: {  	_ =	shalt  }
0x4f: {  	_ =	shalt  }
0x50: {  	_ =	shalt  }
0x51: {  	_ =	shalt  }
0x52: {  	_ =	shalt  }
0x53: {  	_ =	shalt  }
0x54: {  	_ =	shalt  }
0x55: {  	_ =	shalt  }
0x56: {  	_ =	shalt  }
0x57: {  	_ =	shalt  }
0x58: {  	_ =	shalt  }
0x59: {  	_ =	shalt  }
0x5a: {  	_ =	shalt  }
0x5b: {  	_ =	shalt  }
0x5c: {  	_ =	shalt  }
0x5d: {  	_ =	shalt  }
0x5e: {  	_ =	shalt  }
0x5f: {  	_ =	shalt  }
0x60: {  	_ =	shalt  }
0x61: {  	_ =	shalt  }
0x62: {  	_ =	shalt  }
0x63: {  	_ =	shalt  }
0x64: {  	_ =	shalt  }
0x65: {  	_ =	shalt  }
0x66: {  	_ =	shalt  }
0x67: {  	_ =	shalt  }
0x68: {  	_ =	shalt  }
0x69: {  	_ =	shalt  }
0x6a: {  	_ =	shalt  }
0x6b: {  	_ =	shalt  }
0x6c: {  	_ =	shalt  }
0x6d: {  	_ =	shalt  }
0x6e: {  	_ =	shalt  }
0x6f: {  	_ =	shalt  }
0x70: {  	_ =	shalt  }
0x71: {  	_ =	shalt  }
0x72: {  	_ =	shalt  }
0x73: {  	_ =	shalt  }
0x74: {  	_ =	shalt  }
0x75: {  	_ =	shalt  }
0x76: {  	_ =	shalt  }
0x77: {  	_ =	shalt  }
0x78: {  	_ =	shalt  }
0x79: {  	_ =	shalt  }
0x7a: {  	_ =	shalt  }
0x7b: {  	_ =	shalt  }
0x7c: {  	_ =	shalt  }
0x7d: {  	_ =	shalt  }
0x7e: {  	_ =	shalt  }
0x7f: {  	_ =	shalt  }
0x80: {  	_ =	shalt  }
0x81: {  	_ =	shalt  }
0x82: {  	_ =	shalt  }
0x83: {  	_ =	shalt  }
0x84: {  	_ =	shalt  }
0x85: {  	_ =	shalt  }
0x86: {  	_ =	shalt  }
0x87: {  	_ =	shalt  }
.Lfunc_end0:
.L_simem_size_0:
called_computation_lowered:
.L_overlay_start_0:
0x88: {  	s2 =	sld [smem:$0x3FD9]  }
0x89: {  	s3 =	sld [smem:$0x3FFE];
	_ =	sdelay $0x1  }
0x8a: {  	s1 =	srdreg.scid  }
0x8b: {  	s0 =	sand.u32 $0x1, s1  }
0x8c: {  	s17 =	sshll.u32 s0, $0xA;
	s2 =	sadd.s32 s3, s2  }
0x8d: {  	s2 =	sadd.s32 s2, s17  }
0x8e: {  	[smem:$0x3FC7] =	sst s2  }
0x8f: {  	_ = 	snop  }
0x90: {  	s2 =	sld [smem:$0x3FC9];
	(tm) =	ssettm $0x1  }
0x91: {  	s18 =	sld [smem:$0x3FFB];
	_ =	sdelay $0x3  }
0x92: {  	_ =	strace s18  }
0x93: {  	s3 =	sld [smem:$0x3FFC];
	_ =	sdelay $0x3  }
0x94: {  	_ =	strace s3  }
0x95: {  	s3 =	sld [smem:$0x3FFD];
	_ =	sdelay $0x3  }
0x96: {  	_ =	strace s3  }
0x97: {  	_ =	strace $0x8FFFFFFF  }
0x98: {  	s19 =	sld [smem:$0x3FDB];
	_ =	sdelay $0x1  }
0x99: {  	s4 =	simm.s32 $_scs_section_size  }
0x9a: {  	s5 =	simm.s32 $_size__tile_overlayer_lowered;
	s6 =	simm.s32 $_tile_overlayer_lowered  }
0x9b: {  	s22 =	simm.s32 $0x1BFF;
	s21 =	sshll.u32 s6, $0x1;
	s3 =	sadd.s32 s4, s19  }
0x9c: {  	s7 =	simm.s32 $0x0;
	s20 =	sshll.u32 s5, $0x1;
	s5 =	sadd.s32 s21, s3  }
0x9d: {  	[timem:s7], [sflag:s22] =	dma.local [hbm:s5], s20  }
0x9e: {  	_ =	swait.ge [sflag:s22], s20  }
0x9f: {  	s4 =	ssub.s32 $0x0, s20;
	[sflag:s22] =	ssyncset.done $0x0  }
0xa0: {  	[sflag:s22] =	ssyncadd.s32 s4;
	_ =	sdelay $0x1  }
0xa1: {  	s23 =	simm.s32 $0x1B8B  }
0xa2: {  	_ =	swait.ge [sflag:s23], $0x1  }
0xa3: {  	[sflag:s23] =	ssyncset.done $0x0  }
0xa4: {  	s25 =	simm.s32 $0x1B8E;
	s24 =	sld [smem:$0x3FFE];
	[sflag:s23] =	ssyncadd.s32 $0xFFFFFFFF  }
0xa5: {  	s26 =	simm.s32 $execute0_lowered;
	[smem:$0x3FD2] =	sst s25  }
0xa6: {  	s5 =	sshll.u32 s26, $0x1;
	_ =	strace $0x80000046;
	[dreg:$0x1] =	wrdreg $0xFFFFFFFF  }
0xa7: {  	s28 =	simm.s32 $_size_execute0_lowered;
	s3 =	sadd.s32 s3, s5;
	[dreg:$0x0] =	wrdreg $0x0  }
0xa8: {  	s5 =	sshll.u32 s28, $0x1;
	[dreg:$0x2] =	wrdreg s3  }
0xa9: {  	[dreg:$0x3] =	wrdreg s5  }
0xaa: {  	[dreg:$0x4] =	wrdreg $0xC0  }
0xab: {  	_ =	task [dreg:s7], $0x5FFFF  }
0xac: {  	[dreg:$0x1] =	wrdreg $0xFFFFFFFF  }
0xad: {  	[dreg:$0x0] =	wrdreg $0x60  }
0xae: {  	[dreg:$0x2] =	wrdreg s2  }
0xaf: {  	[dreg:$0x3] =	wrdreg s24  }
0xb0: {  	[dreg:$0x4] =	wrdreg $0x9  }
0xb1: {  	_ =	task.clear_ibuf [dreg:s7], $0x5FFFF;
	_ =	strace $0x90000046  }
0xb2: {  	s29 =	simm.s32 $0x9;
	_ =	strace $0x80000048  }
0xb3: {  	_ =	swait.ge [sflag:s29], $0x1  }
0xb4: {  	[sflag:s29] =	ssyncadd.s32 $0xFFFFFFFF  }
0xb5: {  	_ =	strace $0x90000048  }
0xb6: {  	_ =	sfence  }
0xb7: {  	s30 =	sld [smem:$0x0];
	_ =	sdelay $0x2  }
0xb8: {  	s31 =	sshll.u32 s1, $0xD;
	s1 =	sshrl.u32 s1, $0x2  }
0xb9: {  	s3 =	sand.u32 $0x4000, s31;
	s1 =	sadd.s32 s1, s30  }
0xba: {  	s0 =	sor.u32 s3, s0;
	s1 =	sshll.u32 s1, $0x11  }
0xbb: {  	s0 =	sor.u32 s1, s0  }
0xbc: {  	s0 =	sadd.s32 $0x8F2B, s0  }
0xbd: {  	[sflag:s0] =	ssyncadd.remote.s32 $0x1  }
0xbe: {  	_ =	sfence.sel $0xFFFF  }
0xbf: {  	[dreg:$0x0] =	wrdreg $0xFFFFFFFF;
	(pc) =	sbr.abs _section_cstart, $3  }
0xc0: {  	[dreg:$0x1] =	wrdreg $0xFFFFFFFF  }
0xc1: {  	_ =	task.clear_ibuf [dreg:s7], $0x2FFFF;
	_ =	strace $0x9FFFFFFF  }
0xc2: {  	(tm) =	ssettm $0x7FFFFFFF  }
0xc3: {  	_ =	shalt  }
tec
execute0_lowered:
.L_overlay_start_1:
0x0: {  	(tag) =	ssettag $0x1  }
0x1: {  	s1 =	rddreg [dreg:$0x0]  }
0x2: {  	s7 =	rddreg [dreg:$0x1]  }
0x3: {  	s0 =	rddreg [dreg:$0x2];
	s3 =	simm.s32 $0x0;
	s4 =	srdreg.scid  }
0x4: {  	s2 =	stileid.u32;
	s10 =	simm.s32 $0x1;
	s11 =	simm.s32 $0x8000  }
0x5: {  	s12 =	simm.s32 $0x2;
	[smem:$0x7FF] =	sst s3;
	s4 =	sand.u32 $0x1, s4  }
0x6: {  	s6 =	sshll.u32 s2, $0x4;
	s5 =	ssub.s32 $0x2, s4;
	s4 =	sshll.u32 s4, $0x3  }
0x7: {  	s13 =	simm.s32 $0x0;
	_ =	strace $0x80000047;
	s4 =	sor.u32 s4, s6  }
0x8: {  	s8 =	sshrl.u32 s5, $0x1;
	s6 =	sadd.s32 $0x800, s1;
	s31 =	sshll.u32 s4, $0xD  }
0x9: {  	s8 =	ssub.s32 s5, s8;
	s9 =	sshll.u32 s4, $0x5;
	s5 =	sadd.s32 s1, s31  }
0xa: {  	v0 =	vimm.f32 $0.0e+00;
	v1 =	vimm.f32 $1.000000000e+00;
	s7 =	sadd.s32 s7, s9;
	s8 =	smax.u32 s8, $0x1;
	s9 =	simm.s32 $0x4000  }
.LBB2_1:
0xb: {  	[tilespmem:$0x8000] =	vst v0  }
0xc: {  	[tilespmem:$0x8010] =	vst v0  }
0xd: {  	[tilespmem:$0x8020] =	vst v0  }
0xe: {  	[tilespmem:$0x8030] =	vst v0  }
0xf: {  	[tilespmem:$0x8040] =	vst v0  }
0x10: {  	[tilespmem:$0x8050] =	vst v0  }
0x11: {  	[tilespmem:$0x8060] =	vst v0  }
0x12: {  	[tilespmem:$0x8070] =	vst v0  }
0x13: {  	[tilespmem:$0x8080] =	vst v0  }
0x14: {  	[tilespmem:$0x8090] =	vst v0  }
0x15: {  	[tilespmem:$0x80A0] =	vst v0  }
0x16: {  	[tilespmem:$0x80B0] =	vst v0  }
0x17: {  	[tilespmem:$0x80C0] =	vst v0  }
0x18: {  	[tilespmem:$0x80D0] =	vst v0  }
0x19: {  	[tilespmem:$0x80E0] =	vst v0  }
0x1a: {  	[tilespmem:$0x80F0] =	vst v0;
	s14 =	simm.s32 $0x0  }
0x1b: {  	[tilespmem:s3], [sflag:$0x1] =	stream.linear.gather [hbm4b:s5+s3], $0x4000, $0x38;
	[tilespmem:$0x8100] =	vst v63  }
.LBB2_2:
0x1c: {  	s17 =	sshll.u32 s14, $0x1  }
0x1d: {  	s15 =	sshrl.u32 s14, $0x1;
	s16 =	sand.u32 $0x2, s17  }
0x1e: {  	s18 =	sadd.s32 s4, s15;
	s19 =	sshll.u32 s16, $0xB  }
0x1f: {  	s18 =	sshll.u32 s18, $0xD;
	s19 =	sadd.s32 s19, s6  }
0x20: {  	s30 =	simm.s32 $0x0;
	s18 =	sadd.s32 s18, s19  }
0x21: {  	[tilespmem:s9], [sflag:$0x2] =	stream.linear.gather [hbm4b:s18+s30], $0x4000, $0x38;
	[tilespmem:$0x8100] =	vst v63  }
0x22: {  	_ =	swait.ge [sflag:s10], $0x4000  }
0x23: {  	s31 =	sand.u32 $0x3800, s30;
	s19 =	sand.u32 $0x300, s30;
	[sflag:s10] =	ssyncset.done $0x0  }
0x24: {  	s18 =	sor.u32 s19, s31;
	[sflag:s10] =	ssyncadd.s32 $0xFFFFC000  }
0x25: {  	v2 =	vld [tilespmem:s18+$0x30]  }
0x26: {  	v3 =	vld [tilespmem:s18+$0x400]  }
0x27: {  	v4 =	vld [tilespmem:s18+$0x410]  }
0x28: {  	v5 =	vld [tilespmem:s18+$0xD0]  }
0x29: {  	v6 =	vld [tilespmem:s18+$0xB0]  }
0x2a: {  	v7 =	vld [tilespmem:s18+$0xA0]  }
0x2b: {  	v8 =	vld [tilespmem:s18+$0x470]  }
0x2c: {  	v9 =	vld [tilespmem:s18+$0x450]  }
0x2d: {  	v10 =	vld [tilespmem:s18+$0x440]  }
0x2e: {  	v11 =	vld [tilespmem:s18+$0x50]  }
0x2f: {  	v12 =	vld [tilespmem:s18+$0x10]  }
0x30: {  	v13 =	vld [tilespmem:s18+$0x0]  }
0x31: {  	v14 =	vld [tilespmem:s18+$0x20]  }
0x32: {  	v15 =	vld [tilespmem:s18+$0x40]  }
0x33: {  	v16 =	vld [tilespmem:s18+$0x70]  }
0x34: {  	v17 =	vld [tilespmem:s18+$0x60]  }
0x35: {  	v18 =	vld [tilespmem:s18+$0x460]  }
0x36: {  	v19 =	vld [tilespmem:s18+$0x90];
	v5 =	vmul.f32 $2.550000000e+02, v5  }
0x37: {  	v20 =	vld [tilespmem:s18+$0x80];
	v6 =	vmul.f32 $2.550000000e+02, v6;
	v7 =	vmul.f32 $2.550000000e+02, v7  }
0x38: {  	v21 =	vld [tilespmem:s18+$0xC0];
	v8 =	vmul.f32 $2.550000000e+02, v8;
	v9 =	vmul.f32 $2.550000000e+02, v9  }
0x39: {  	v22 =	vld [tilespmem:s18+$0x430];
	v10 =	vmul.f32 $2.550000000e+02, v10;
	v4 =	vmul.f32 $2.550000000e+02, v4  }
0x3a: {  	v24 =	vld [tilespmem:s18+$0x420];
	v11 =	vmul.f32 $2.550000000e+02, v11;
	v3 =	vmul.f32 $2.550000000e+02, v3  }
0x3b: {  	v25 =	vld [tilespmem:s18+$0x490];
	v2 =	vmul.f32 $2.550000000e+02, v2;
	v14 =	vmul.f32 $2.550000000e+02, v14  }
0x3c: {  	v27 =	vld [tilespmem:s18+$0xF0];
	v12 =	vmul.f32 $2.550000000e+02, v12;
	v13 =	vmul.f32 $2.550000000e+02, v13  }
0x3d: {  	v33 =	vld [tilespmem:s18+$0xE0];
	v16 =	vmul.f32 $2.550000000e+02, v16;
	v20 =	vmul.f32 $2.550000000e+02, v20  }
0x3e: {  	v15 =	vmul.f32 $2.550000000e+02, v15;
	v17 =	vmul.f32 $2.550000000e+02, v17  }
0x3f: {  	v48 =	vmul.f32 $2.550000000e+02, v24;
	v49 =	vmul.f32 $2.550000000e+02, v22  }
0x40: {  	v50 =	vmul.f32 $2.550000000e+02, v18;
	v52 =	vmul.f32 $2.550000000e+02, v21  }
0x41: {  	v53 =	vmul.f32 $2.550000000e+02, v19;
	v54 =	vmul.f32 $2.550000000e+02, v27  }
0x42: {  	v59 =	vmul.f32 $2.550000000e+02, v33;
	v61 =	vmul.f32 $2.550000000e+02, v25  }
0x43: {  	v23 =	vld [tilespmem:s18+$0x4A0];
	v5 =	vtrunc.f32 v5;
	v13 =	vtrunc.f32 v13  }
0x44: {  	v26 =	vld [tilespmem:s18+$0x480];
	v12 =	vtrunc.f32 v12;
	v13 =	vcvt.f32.s32 v13  }
0x45: {  	v28 =	vld [tilespmem:s18+$0x4C0];
	v14 =	vtrunc.f32 v14;
	v12 =	vcvt.f32.s32 v12  }
0x46: {  	v29 =	vld [tilespmem:s18+$0x4B0];
	v2 =	vtrunc.f32 v2;
	v14 =	vcvt.f32.s32 v14  }
0x47: {  	v30 =	vld [tilespmem:s18+$0x4D0];
	v15 =	vtrunc.f32 v15;
	v2 =	vcvt.f32.s32 v2  }
0x48: {  	v31 =	vld [tilespmem:s18+$0x4F0];
	v11 =	vtrunc.f32 v11;
	v15 =	vcvt.f32.s32 v15  }
0x49: {  	v32 =	vld [tilespmem:s18+$0x4E0];
	v17 =	vtrunc.f32 v17;
	v11 =	vcvt.f32.s32 v11  }
0x4a: {  	v16 =	vtrunc.f32 v16;
	v17 =	vcvt.f32.s32 v17;
	[tilespmem:v13+s11+$0x0] =	vst.idx.add.f32.msk $0xffff, v1  }
0x4b: {  	v3 =	vtrunc.f32 v3;
	v16 =	vcvt.f32.s32 v16;
	[tilespmem:v12+s11+$0x0] =	vst.idx.add.f32.msk $0xffff, v1  }
0x4c: {  	v4 =	vtrunc.f32 v4;
	v3 =	vcvt.f32.s32 v3;
	[tilespmem:v14+s11+$0x0] =	vst.idx.add.f32.msk $0xffff, v1  }
0x4d: {  	v4 =	vcvt.f32.s32 v4;
	v13 =	vtrunc.f32 v48;
	[tilespmem:v2+s11+$0x0] =	vst.idx.add.f32.msk $0xffff, v1  }
0x4e: {  	v51 =	vcvt.f32.s32 v13;
	v2 =	vtrunc.f32 v49;
	[tilespmem:v15+s11+$0x0] =	vst.idx.add.f32.msk $0xffff, v1  }
0x4f: {  	v10 =	vtrunc.f32 v10;
	v2 =	vcvt.f32.s32 v2;
	[tilespmem:v11+s11+$0x0] =	vst.idx.add.f32.msk $0xffff, v1  }
0x50: {  	v9 =	vtrunc.f32 v9;
	v10 =	vcvt.f32.s32 v10;
	[tilespmem:v17+s11+$0x0] =	vst.idx.add.f32.msk $0xffff, v1  }
0x51: {  	v9 =	vcvt.f32.s32 v9;
	v14 =	vtrunc.f32 v50;
	[tilespmem:v16+s11+$0x0] =	vst.idx.add.f32.msk $0xffff, v1  }
0x52: {  	v8 =	vtrunc.f32 v8;
	v14 =	vcvt.f32.s32 v14;
	[tilespmem:v3+s11+$0x0] =	vst.idx.add.f32.msk $0xffff, v1  }
0x53: {  	v55 =	vtrunc.f32 v20;
	v8 =	vcvt.f32.s32 v8;
	[tilespmem:v4+s11+$0x0] =	vst.idx.add.f32.msk $0xffff, v1  }
0x54: {  	v56 =	vcvt.f32.s32 v55;
	v11 =	vtrunc.f32 v53;
	[tilespmem:v51+s11+$0x0] =	vst.idx.add.f32.msk $0xffff, v1  }
0x55: {  	v7 =	vtrunc.f32 v7;
	v4 =	vcvt.f32.s32 v11;
	[tilespmem:v2+s11+$0x0] =	vst.idx.add.f32.msk $0xffff, v1  }
0x56: {  	v6 =	vtrunc.f32 v6;
	v7 =	vcvt.f32.s32 v7;
	[tilespmem:v10+s11+$0x0] =	vst.idx.add.f32.msk $0xffff, v1  }
0x57: {  	v6 =	vcvt.f32.s32 v6;
	v2 =	vtrunc.f32 v52;
	[tilespmem:v9+s11+$0x0] =	vst.idx.add.f32.msk $0xffff, v1  }
0x58: {  	v5 =	vcvt.f32.s32 v5;
	v2 =	vcvt.f32.s32 v2;
	[tilespmem:v14+s11+$0x0] =	vst.idx.add.f32.msk $0xffff, v1  }
0x59: {  	v3 =	vmul.f32 $2.550000000e+02, v26;
	v10 =	vtrunc.f32 v59;
	[tilespmem:v8+s11+$0x0] =	vst.idx.add.f32.msk $0xffff, v1  }
0x5a: {  	v57 =	vtrunc.f32 v54;
	v10 =	vcvt.f32.s32 v10;
	[tilespmem:v56+s11+$0x0] =	vst.idx.add.f32.msk $0xffff, v1  }
0x5b: {  	v11 =	vcvt.f32.s32 v57;
	v3 =	vtrunc.f32 v3;
	[tilespmem:v4+s11+$0x0] =	vst.idx.add.f32.msk $0xffff, v1  }
0x5c: {  	v3 =	vcvt.f32.s32 v3;
	v4 =	vtrunc.f32 v61;
	[tilespmem:v7+s11+$0x0] =	vst.idx.add.f32.msk $0xffff, v1  }
0x5d: {  	v62 =	vmul.f32 $2.550000000e+02, v23;
	v4 =	vcvt.f32.s32 v4;
	[tilespmem:v6+s11+$0x0] =	vst.idx.add.f32.msk $0xffff, v1  }
0x5e: {  	v58 =	vmul.f32 $2.550000000e+02, v29;
	v60 =	vmul.f32 $2.550000000e+02, v28;
	[tilespmem:v2+s11+$0x0] =	vst.idx.add.f32.msk $0xffff, v1  }
0x5f: {  	v63 =	vmul.f32 $2.550000000e+02, v30;
	v7 =	vtrunc.f32 v62;
	[tilespmem:v5+s11+$0x0] =	vst.idx.add.f32.msk $0xffff, v1  }
0x60: {  	v6 =	vtrunc.f32 v58;
	v7 =	vcvt.f32.s32 v7;
	[tilespmem:v10+s11+$0x0] =	vst.idx.add.f32.msk $0xffff, v1  }
0x61: {  	v2 =	vtrunc.f32 v60;
	v6 =	vcvt.f32.s32 v6;
	[tilespmem:v11+s11+$0x0] =	vst.idx.add.f32.msk $0xffff, v1  }
0x62: {  	v5 =	vcvt.f32.s32 v2;
	v2 =	vmul.f32 $2.550000000e+02, v32;
	[tilespmem:v3+s11+$0x0] =	vst.idx.add.f32.msk $0xffff, v1  }
0x63: {  	v3 =	vmul.f32 $2.550000000e+02, v31;
	[tilespmem:v4+s11+$0x0] =	vst.idx.add.f32.msk $0xffff, v1;
	v4 =	vtrunc.f32 v63  }
0x64: {  	v2 =	vtrunc.f32 v2;
	v4 =	vcvt.f32.s32 v4  }
0x65: {  	v2 =	vcvt.f32.s32 v2;
	v3 =	vtrunc.f32 v3  }
0x66: {  	[tilespmem:v7+s11+$0x0] =	vst.idx.add.f32.msk $0xffff, v1;
	v3 =	vcvt.f32.s32 v3  }
0x67: {  	[tilespmem:v6+s11+$0x0] =	vst.idx.add.f32.msk $0xffff, v1  }
0x68: {  	s21 =	simm.s32 $0x100;
	s18 =	simm.s32 $0x200;
	[tilespmem:v5+s11+$0x0] =	vst.idx.add.f32.msk $0xffff, v1  }
.LBB2_3:
0x69: {  	s19 =	smov.u32 s21  }
0x6a: {  	s20 =	sand.u32 $0x3800, s18;
	s22 =	sand.u32 $0x300, s21;
	[tilespmem:v4+s11+$0x0] =	vst.idx.add.f32.msk $0xffff, v1;
	s19 =	sadd.s32 $0x100, s21  }
0x6b: {  	p0 =	sne.s32 s21, $0x1F00;
	s20 =	sor.u32 s22, s20;
	[tilespmem:v2+s11+$0x0] =	vst.idx.add.f32.msk $0xffff, v1  }
0x6c: {  	[tilespmem:v3+s11+$0x0] =	vst.idx.add.f32.msk $0xffff, v1  }
0x6d: {  	v6 =	vld [tilespmem:s20+$0x30]  }
0x6e: {  	v7 =	vld [tilespmem:s20+$0x400]  }
0x6f: {  	v4 =	vld [tilespmem:s20+$0x410]  }
0x70: {  	v2 =	vld [tilespmem:s20+$0xD0]  }
0x71: {  	v3 =	vld [tilespmem:s20+$0xB0]  }
0x72: {  	v5 =	vld [tilespmem:s20+$0xA0]  }
0x73: {  	v8 =	vld [tilespmem:s20+$0x470]  }
0x74: {  	v9 =	vld [tilespmem:s20+$0x450]  }
0x75: {  	v10 =	vld [tilespmem:s20+$0x440];
	v2 =	vmul.f32 $2.550000000e+02, v2  }
0x76: {  	v11 =	vld [tilespmem:s20+$0x50];
	v3 =	vmul.f32 $2.550000000e+02, v3  }
0x77: {  	v12 =	vld [tilespmem:s20+$0x10];
	v5 =	vmul.f32 $2.550000000e+02, v5;
	v2 =	vtrunc.f32 v2  }
0x78: {  	v13 =	vld [tilespmem:s20+$0x0];
	v8 =	vmul.f32 $2.550000000e+02, v8;
	v3 =	vtrunc.f32 v3  }
0x79: {  	v14 =	vld [tilespmem:s20+$0x20];
	v9 =	vmul.f32 $2.550000000e+02, v9;
	v5 =	vtrunc.f32 v5  }
0x7a: {  	v15 =	vld [tilespmem:s20+$0x40];
	v10 =	vmul.f32 $2.550000000e+02, v10;
	v8 =	vtrunc.f32 v8  }
0x7b: {  	v17 =	vmul.f32 $2.550000000e+02, v4;
	v16 =	vld [tilespmem:s20+$0x70];
	v4 =	vcvt.f32.s32 v8  }
0x7c: {  	v7 =	vmul.f32 $2.550000000e+02, v7;
	v11 =	vmul.f32 $2.550000000e+02, v11;
	v8 =	vld [tilespmem:s20+$0x60]  }
0x7d: {  	v19 =	vmul.f32 $2.550000000e+02, v6;
	v6 =	vtrunc.f32 v9;
	v18 =	vld [tilespmem:s20+$0x460]  }
0x7e: {  	v6 =	vcvt.f32.s32 v6;
	v9 =	vld [tilespmem:s20+$0x90];
	v14 =	vmul.f32 $2.550000000e+02, v14  }
0x7f: {  	v19 =	vtrunc.f32 v19;
	v12 =	vmul.f32 $2.550000000e+02, v12;
	v20 =	vld [tilespmem:s20+$0x80]  }
0x80: {  	v13 =	vmul.f32 $2.550000000e+02, v13;
	v21 =	vld [tilespmem:s20+$0xC0];
	v14 =	vtrunc.f32 v14  }
0x81: {  	v11 =	vtrunc.f32 v11;
	v22 =	vld [tilespmem:s20+$0x430];
	v14 =	vcvt.f32.s32 v14  }
0x82: {  	v19 =	vcvt.f32.s32 v19;
	v12 =	vtrunc.f32 v12;
	v23 =	vld [tilespmem:s20+$0x4A0]  }
0x83: {  	v10 =	vtrunc.f32 v10;
	v16 =	vmul.f32 $2.550000000e+02, v16;
	v24 =	vld [tilespmem:s20+$0x420]  }
0x84: {  	v12 =	vcvt.f32.s32 v12;
	v25 =	vld [tilespmem:s20+$0x490];
	v20 =	vmul.f32 $2.550000000e+02, v20  }
0x85: {  	v10 =	vcvt.f32.s32 v10;
	v16 =	vtrunc.f32 v16;
	v26 =	vld [tilespmem:s20+$0x480]  }
0x86: {  	v13 =	vtrunc.f32 v13;
	v16 =	vcvt.f32.s32 v16;
	v27 =	vld [tilespmem:s20+$0xF0]  }
0x87: {  	v7 =	vtrunc.f32 v7;
	v11 =	vcvt.f32.s32 v11;
	v28 =	vld [tilespmem:s20+$0x4C0]  }
0x88: {  	v17 =	vtrunc.f32 v17;
	v15 =	vmul.f32 $2.550000000e+02, v15;
	v29 =	vld [tilespmem:s20+$0x4B0]  }
0x89: {  	v7 =	vcvt.f32.s32 v7;
	v17 =	vcvt.f32.s32 v17;
	v30 =	vld [tilespmem:s20+$0x4D0]  }
0x8a: {  	v18 =	vmul.f32 $2.550000000e+02, v18;
	v21 =	vmul.f32 $2.550000000e+02, v21;
	v31 =	vld [tilespmem:s20+$0x4F0]  }
0x8b: {  	v9 =	vmul.f32 $2.550000000e+02, v9;
	v32 =	vld [tilespmem:s20+$0x4E0];
	v27 =	vmul.f32 $2.550000000e+02, v27  }
0x8c: {  	v13 =	vcvt.f32.s32 v13;
	v18 =	vtrunc.f32 v18  }
0x8d: {  	v15 =	vtrunc.f32 v15;
	v18 =	vcvt.f32.s32 v18  }
0x8e: {  	v15 =	vcvt.f32.s32 v15;
	v20 =	vtrunc.f32 v20  }
0x8f: {  	v8 =	vmul.f32 $2.550000000e+02, v8;
	v20 =	vcvt.f32.s32 v20  }
0x90: {  	v22 =	vmul.f32 $2.550000000e+02, v22;
	v26 =	vmul.f32 $2.550000000e+02, v26;
	v33 =	vld [tilespmem:s20+$0xE0]  }
0x91: {  	v8 =	vtrunc.f32 v8;
	v9 =	vtrunc.f32 v9  }
0x92: {  	v8 =	vcvt.f32.s32 v8;
	v9 =	vcvt.f32.s32 v9;
	[tilespmem:v13+s11+$0x0] =	vst.idx.add.f32.msk $0xffff, v1  }
0x93: {  	v13 =	vmul.f32 $2.550000000e+02, v24;
	v24 =	vmul.f32 $2.550000000e+02, v29;
	[tilespmem:v12+s11+$0x0] =	vst.idx.add.f32.msk $0xffff, v1  }
0x94: {  	v12 =	vtrunc.f32 v22;
	v22 =	vmul.f32 $2.550000000e+02, v32;
	[tilespmem:v14+s11+$0x0] =	vst.idx.add.f32.msk $0xffff, v1  }
0x95: {  	v13 =	vtrunc.f32 v13;
	v14 =	vtrunc.f32 v24;
	[tilespmem:v19+s11+$0x0] =	vst.idx.add.f32.msk $0xffff, v1  }
0x96: {  	v12 =	vcvt.f32.s32 v12;
	v19 =	vtrunc.f32 v22;
	[tilespmem:v15+s11+$0x0] =	vst.idx.add.f32.msk $0xffff, v1  }
0x97: {  	v13 =	vcvt.f32.s32 v13;
	v15 =	vtrunc.f32 v27;
	[tilespmem:v11+s11+$0x0] =	vst.idx.add.f32.msk $0xffff, v1  }
0x98: {  	v11 =	vcvt.f32.s32 v15;
	v15 =	vmul.f32 $2.550000000e+02, v28;
	[tilespmem:v8+s11+$0x0] =	vst.idx.add.f32.msk $0xffff, v1  }
0x99: {  	v22 =	vmul.f32 $2.550000000e+02, v31;
	v8 =	vtrunc.f32 v26;
	[tilespmem:v16+s11+$0x0] =	vst.idx.add.f32.msk $0xffff, v1  }
0x9a: {  	v16 =	vtrunc.f32 v21;
	v15 =	vtrunc.f32 v15;
	[tilespmem:v7+s11+$0x0] =	vst.idx.add.f32.msk $0xffff, v1  }
0x9b: {  	v7 =	vcvt.f32.s32 v16;
	v16 =	vtrunc.f32 v22;
	[tilespmem:v17+s11+$0x0] =	vst.idx.add.f32.msk $0xffff, v1  }
0x9c: {  	v21 =	vmul.f32 $2.550000000e+02, v23;
	v17 =	vmul.f32 $2.550000000e+02, v33  }
0x9d: {  	v22 =	vmul.f32 $2.550000000e+02, v25;
	[tilespmem:v13+s11+$0x0] =	vst.idx.add.f32.msk $0xffff, v1  }
0x9e: {  	v13 =	vtrunc.f32 v17;
	v17 =	vtrunc.f32 v21;
	[tilespmem:v12+s11+$0x0] =	vst.idx.add.f32.msk $0xffff, v1  }
0x9f: {  	v5 =	vcvt.f32.s32 v5;
	v12 =	vtrunc.f32 v22;
	[tilespmem:v10+s11+$0x0] =	vst.idx.add.f32.msk $0xffff, v1  }
0xa0: {  	v10 =	vcvt.f32.s32 v3;
	v12 =	vcvt.f32.s32 v12;
	[tilespmem:v6+s11+$0x0] =	vst.idx.add.f32.msk $0xffff, v1  }
0xa1: {  	v6 =	vcvt.f32.s32 v2;
	v2 =	vmul.f32 $2.550000000e+02, v30;
	[tilespmem:v18+s11+$0x0] =	vst.idx.add.f32.msk $0xffff, v1  }
0xa2: {  	v14 =	vcvt.f32.s32 v14;
	v13 =	vcvt.f32.s32 v13;
	[tilespmem:v4+s11+$0x0] =	vst.idx.add.f32.msk $0xffff, v1  }
0xa3: {  	v15 =	vcvt.f32.s32 v15;
	v2 =	vtrunc.f32 v2;
	[tilespmem:v20+s11+$0x0] =	vst.idx.add.f32.msk $0xffff, v1  }
0xa4: {  	v8 =	vcvt.f32.s32 v8;
	v4 =	vcvt.f32.s32 v2;
	[tilespmem:v9+s11+$0x0] =	vst.idx.add.f32.msk $0xffff, v1  }
0xa5: {  	v2 =	vcvt.f32.s32 v19;
	[tilespmem:v5+s11+$0x0] =	vst.idx.add.f32.msk $0xffff, v1  }
0xa6: {  	v3 =	vcvt.f32.s32 v16;
	v5 =	vcvt.f32.s32 v17;
	[tilespmem:v10+s11+$0x0] =	vst.idx.add.f32.msk $0xffff, v1  }
0xa7: {  	[tilespmem:v7+s11+$0x0] =	vst.idx.add.f32.msk $0xffff, v1  }
0xa8: {  	[tilespmem:v6+s11+$0x0] =	vst.idx.add.f32.msk $0xffff, v1  }
0xa9: {  	[tilespmem:v13+s11+$0x0] =	vst.idx.add.f32.msk $0xffff, v1  }
0xaa: {  	[tilespmem:v11+s11+$0x0] =	vst.idx.add.f32.msk $0xffff, v1  }
.Ltmp0:
0xab: {  	[tilespmem:v8+s11+$0x0] =	vst.idx.add.f32.msk $0xffff, v1;
	(pc) =	sbr.rel @p0 .LBB2_3-.Ltmp0, $4  }
0xac: {  	[tilespmem:v12+s11+$0x0] =	vst.idx.add.f32.msk $0xffff, v1  }
0xad: {  	[tilespmem:v5+s11+$0x0] =	vst.idx.add.f32.msk $0xffff, v1  }
0xae: {  	[tilespmem:v14+s11+$0x0] =	vst.idx.add.f32.msk $0xffff, v1  }
0xaf: {  	s18 =	sadd.s32 $0x200, s18;
	s21 =	smov.u32 s19;
	[tilespmem:v15+s11+$0x0] =	vst.idx.add.f32.msk $0xffff, v1  }
0xb0: {  	_ = 	snop  }
0xb1: {  	p0 =	seq.s32 s14, $0xF  }
0xb2: {  	s17 =	sadd.s32 @!p0 $0x2, s17  }
0xb3: {  	s18 =	sshrl.u32 @!p0 s17, $0x2;
	s17 =	sshll.u32 @!p0 s17, $0xB  }
0xb4: {  	[tilespmem:v4+s11+$0x0] =	vst.idx.add.f32.msk $0xffff, v1;
	s18 =	sadd.s32 @!p0 s4, s18;
	s17 =	sand.u32 @!p0 $0x1000, s17  }
0xb5: {  	[tilespmem:v2+s11+$0x0] =	vst.idx.add.f32.msk $0xffff, v1;
	s18 =	sshll.u32 @!p0 s18, $0xD;
	s17 =	sadd.s32 @!p0 s1, s17  }
0xb6: {  	[tilespmem:v3+s11+$0x0] =	vst.idx.add.f32.msk $0xffff, v1;
	s17 =	sadd.s32 @!p0 s18, s17;
	s18 =	simm.s32 @!p0 $0x0  }
0xb7: {  	[tilespmem:s18], [sflag:$0x1] =	stream.linear.gather @!p0 [hbm4b:s17+s18], $0x4000, $0x38;
	[tilespmem:$0x8100] =	vst v63  }
0xb8: {  	s30 =	simm.s32 $0x0;
	_ =	swait.ge [sflag:s12], $0x4000  }
0xb9: {  	s31 =	sand.u32 $0x3800, s30;
	s17 =	sand.u32 $0x300, s30;
	[sflag:s12] =	ssyncset.done $0x0  }
0xba: {  	s17 =	sor.u32 s17, s31;
	[sflag:s12] =	ssyncadd.s32 $0xFFFFC000  }
0xbb: {  	v2 =	vld [tilespmem:s17+$0x4030]  }
0xbc: {  	v3 =	vld [tilespmem:s17+$0x4400]  }
0xbd: {  	v4 =	vld [tilespmem:s17+$0x4410]  }
0xbe: {  	v5 =	vld [tilespmem:s17+$0x40D0]  }
0xbf: {  	v6 =	vld [tilespmem:s17+$0x40B0]  }
0xc0: {  	v7 =	vld [tilespmem:s17+$0x40A0]  }
0xc1: {  	v8 =	vld [tilespmem:s17+$0x4470]  }
0xc2: {  	v9 =	vld [tilespmem:s17+$0x4450]  }
0xc3: {  	v10 =	vld [tilespmem:s17+$0x4440]  }
0xc4: {  	v11 =	vld [tilespmem:s17+$0x4050]  }
0xc5: {  	v12 =	vld [tilespmem:s17+$0x4010]  }
0xc6: {  	v13 =	vld [tilespmem:s17+$0x4000]  }
0xc7: {  	v14 =	vld [tilespmem:s17+$0x4020]  }
0xc8: {  	v15 =	vld [tilespmem:s17+$0x4040]  }
0xc9: {  	v16 =	vld [tilespmem:s17+$0x4070]  }
0xca: {  	v17 =	vld [tilespmem:s17+$0x4060]  }
0xcb: {  	v18 =	vld [tilespmem:s17+$0x4460]  }
0xcc: {  	v19 =	vld [tilespmem:s17+$0x4090];
	v5 =	vmul.f32 $2.550000000e+02, v5  }
0xcd: {  	v20 =	vld [tilespmem:s17+$0x4080];
	v6 =	vmul.f32 $2.550000000e+02, v6;
	v7 =	vmul.f32 $2.550000000e+02, v7  }
0xce: {  	v21 =	vld [tilespmem:s17+$0x40C0];
	v8 =	vmul.f32 $2.550000000e+02, v8;
	v9 =	vmul.f32 $2.550000000e+02, v9  }
0xcf: {  	v22 =	vld [tilespmem:s17+$0x4430];
	v10 =	vmul.f32 $2.550000000e+02, v10;
	v4 =	vmul.f32 $2.550000000e+02, v4  }
0xd0: {  	v24 =	vld [tilespmem:s17+$0x4420];
	v11 =	vmul.f32 $2.550000000e+02, v11;
	v3 =	vmul.f32 $2.550000000e+02, v3  }
0xd1: {  	v25 =	vld [tilespmem:s17+$0x4490];
	v2 =	vmul.f32 $2.550000000e+02, v2;
	v14 =	vmul.f32 $2.550000000e+02, v14  }
0xd2: {  	v27 =	vld [tilespmem:s17+$0x40F0];
	v12 =	vmul.f32 $2.550000000e+02, v12;
	v13 =	vmul.f32 $2.550000000e+02, v13  }
0xd3: {  	v33 =	vld [tilespmem:s17+$0x40E0];
	v16 =	vmul.f32 $2.550000000e+02, v16;
	v20 =	vmul.f32 $2.550000000e+02, v20  }
0xd4: {  	v15 =	vmul.f32 $2.550000000e+02, v15;
	v17 =	vmul.f32 $2.550000000e+02, v17  }
0xd5: {  	v48 =	vmul.f32 $2.550000000e+02, v24;
	v49 =	vmul.f32 $2.550000000e+02, v22  }
0xd6: {  	v50 =	vmul.f32 $2.550000000e+02, v18;
	v52 =	vmul.f32 $2.550000000e+02, v21  }
0xd7: {  	v53 =	vmul.f32 $2.550000000e+02, v19;
	v54 =	vmul.f32 $2.550000000e+02, v27  }
0xd8: {  	v59 =	vmul.f32 $2.550000000e+02, v33;
	v61 =	vmul.f32 $2.550000000e+02, v25  }
0xd9: {  	v23 =	vld [tilespmem:s17+$0x44A0];
	v5 =	vtrunc.f32 v5;
	v13 =	vtrunc.f32 v13  }
0xda: {  	v26 =	vld [tilespmem:s17+$0x4480];
	v12 =	vtrunc.f32 v12;
	v13 =	vcvt.f32.s32 v13  }
0xdb: {  	v28 =	vld [tilespmem:s17+$0x44C0];
	v14 =	vtrunc.f32 v14;
	v12 =	vcvt.f32.s32 v12  }
0xdc: {  	v29 =	vld [tilespmem:s17+$0x44B0];
	v2 =	vtrunc.f32 v2;
	v14 =	vcvt.f32.s32 v14  }
0xdd: {  	v30 =	vld [tilespmem:s17+$0x44D0];
	v15 =	vtrunc.f32 v15;
	v2 =	vcvt.f32.s32 v2  }
0xde: {  	v31 =	vld [tilespmem:s17+$0x44F0];
	v11 =	vtrunc.f32 v11;
	v15 =	vcvt.f32.s32 v15  }
0xdf: {  	v32 =	vld [tilespmem:s17+$0x44E0];
	v17 =	vtrunc.f32 v17;
	v11 =	vcvt.f32.s32 v11  }
0xe0: {  	v16 =	vtrunc.f32 v16;
	v17 =	vcvt.f32.s32 v17;
	[tilespmem:v13+s11+$0x0] =	vst.idx.add.f32.msk $0xffff, v1  }
0xe1: {  	v3 =	vtrunc.f32 v3;
	v16 =	vcvt.f32.s32 v16;
	[tilespmem:v12+s11+$0x0] =	vst.idx.add.f32.msk $0xffff, v1  }
0xe2: {  	v4 =	vtrunc.f32 v4;
	v3 =	vcvt.f32.s32 v3;
	[tilespmem:v14+s11+$0x0] =	vst.idx.add.f32.msk $0xffff, v1  }
0xe3: {  	v4 =	vcvt.f32.s32 v4;
	v13 =	vtrunc.f32 v48;
	[tilespmem:v2+s11+$0x0] =	vst.idx.add.f32.msk $0xffff, v1  }
0xe4: {  	v51 =	vcvt.f32.s32 v13;
	v2 =	vtrunc.f32 v49;
	[tilespmem:v15+s11+$0x0] =	vst.idx.add.f32.msk $0xffff, v1  }
0xe5: {  	v10 =	vtrunc.f32 v10;
	v2 =	vcvt.f32.s32 v2;
	[tilespmem:v11+s11+$0x0] =	vst.idx.add.f32.msk $0xffff, v1  }
0xe6: {  	v9 =	vtrunc.f32 v9;
	v10 =	vcvt.f32.s32 v10;
	[tilespmem:v17+s11+$0x0] =	vst.idx.add.f32.msk $0xffff, v1  }
0xe7: {  	v9 =	vcvt.f32.s32 v9;
	v14 =	vtrunc.f32 v50;
	[tilespmem:v16+s11+$0x0] =	vst.idx.add.f32.msk $0xffff, v1  }
0xe8: {  	v8 =	vtrunc.f32 v8;
	v14 =	vcvt.f32.s32 v14;
	[tilespmem:v3+s11+$0x0] =	vst.idx.add.f32.msk $0xffff, v1  }
0xe9: {  	v55 =	vtrunc.f32 v20;
	v8 =	vcvt.f32.s32 v8;
	[tilespmem:v4+s11+$0x0] =	vst.idx.add.f32.msk $0xffff, v1  }
0xea: {  	v56 =	vcvt.f32.s32 v55;
	v11 =	vtrunc.f32 v53;
	[tilespmem:v51+s11+$0x0] =	vst.idx.add.f32.msk $0xffff, v1  }
0xeb: {  	v7 =	vtrunc.f32 v7;
	v4 =	vcvt.f32.s32 v11;
	[tilespmem:v2+s11+$0x0] =	vst.idx.add.f32.msk $0xffff, v1  }
0xec: {  	v6 =	vtrunc.f32 v6;
	v7 =	vcvt.f32.s32 v7;
	[tilespmem:v10+s11+$0x0] =	vst.idx.add.f32.msk $0xffff, v1  }
0xed: {  	v6 =	vcvt.f32.s32 v6;
	v2 =	vtrunc.f32 v52;
	[tilespmem:v9+s11+$0x0] =	vst.idx.add.f32.msk $0xffff, v1  }
0xee: {  	v5 =	vcvt.f32.s32 v5;
	v2 =	vcvt.f32.s32 v2;
	[tilespmem:v14+s11+$0x0] =	vst.idx.add.f32.msk $0xffff, v1  }
0xef: {  	v3 =	vmul.f32 $2.550000000e+02, v26;
	v10 =	vtrunc.f32 v59;
	[tilespmem:v8+s11+$0x0] =	vst.idx.add.f32.msk $0xffff, v1  }
0xf0: {  	v57 =	vtrunc.f32 v54;
	v10 =	vcvt.f32.s32 v10;
	[tilespmem:v56+s11+$0x0] =	vst.idx.add.f32.msk $0xffff, v1  }
0xf1: {  	v11 =	vcvt.f32.s32 v57;
	v3 =	vtrunc.f32 v3;
	[tilespmem:v4+s11+$0x0] =	vst.idx.add.f32.msk $0xffff, v1  }
0xf2: {  	v3 =	vcvt.f32.s32 v3;
	v4 =	vtrunc.f32 v61;
	[tilespmem:v7+s11+$0x0] =	vst.idx.add.f32.msk $0xffff, v1  }
0xf3: {  	v62 =	vmul.f32 $2.550000000e+02, v23;
	v4 =	vcvt.f32.s32 v4;
	[tilespmem:v6+s11+$0x0] =	vst.idx.add.f32.msk $0xffff, v1  }
0xf4: {  	v58 =	vmul.f32 $2.550000000e+02, v29;
	v60 =	vmul.f32 $2.550000000e+02, v28;
	[tilespmem:v2+s11+$0x0] =	vst.idx.add.f32.msk $0xffff, v1  }
0xf5: {  	v63 =	vmul.f32 $2.550000000e+02, v30;
	v7 =	vtrunc.f32 v62;
	[tilespmem:v5+s11+$0x0] =	vst.idx.add.f32.msk $0xffff, v1  }
0xf6: {  	v6 =	vtrunc.f32 v58;
	v7 =	vcvt.f32.s32 v7;
	[tilespmem:v10+s11+$0x0] =	vst.idx.add.f32.msk $0xffff, v1  }
0xf7: {  	v2 =	vtrunc.f32 v60;
	v6 =	vcvt.f32.s32 v6;
	[tilespmem:v11+s11+$0x0] =	vst.idx.add.f32.msk $0xffff, v1  }
0xf8: {  	v5 =	vcvt.f32.s32 v2;
	v2 =	vmul.f32 $2.550000000e+02, v32;
	[tilespmem:v3+s11+$0x0] =	vst.idx.add.f32.msk $0xffff, v1  }
0xf9: {  	v3 =	vmul.f32 $2.550000000e+02, v31;
	[tilespmem:v4+s11+$0x0] =	vst.idx.add.f32.msk $0xffff, v1;
	v4 =	vtrunc.f32 v63  }
0xfa: {  	v2 =	vtrunc.f32 v2;
	v4 =	vcvt.f32.s32 v4  }
0xfb: {  	v2 =	vcvt.f32.s32 v2;
	v3 =	vtrunc.f32 v3  }
0xfc: {  	[tilespmem:v7+s11+$0x0] =	vst.idx.add.f32.msk $0xffff, v1;
	v3 =	vcvt.f32.s32 v3  }
0xfd: {  	[tilespmem:v6+s11+$0x0] =	vst.idx.add.f32.msk $0xffff, v1  }
0xfe: {  	s20 =	simm.s32 $0x100;
	s17 =	simm.s32 $0x200;
	[tilespmem:v5+s11+$0x0] =	vst.idx.add.f32.msk $0xffff, v1  }
.LBB2_5:
0xff: {  	s18 =	smov.u32 s20  }
0x100: {  	s19 =	sand.u32 $0x3800, s17;
	s21 =	sand.u32 $0x300, s20;
	[tilespmem:v4+s11+$0x0] =	vst.idx.add.f32.msk $0xffff, v1;
	s18 =	sadd.s32 $0x100, s20  }
0x101: {  	p0 =	sne.s32 s20, $0x1F00;
	s19 =	sor.u32 s21, s19;
	[tilespmem:v2+s11+$0x0] =	vst.idx.add.f32.msk $0xffff, v1  }
0x102: {  	[tilespmem:v3+s11+$0x0] =	vst.idx.add.f32.msk $0xffff, v1  }
0x103: {  	v6 =	vld [tilespmem:s19+$0x4030]  }
0x104: {  	v7 =	vld [tilespmem:s19+$0x4400]  }
0x105: {  	v4 =	vld [tilespmem:s19+$0x4410]  }
0x106: {  	v2 =	vld [tilespmem:s19+$0x40D0]  }
0x107: {  	v3 =	vld [tilespmem:s19+$0x40B0]  }
0x108: {  	v5 =	vld [tilespmem:s19+$0x40A0]  }
0x109: {  	v8 =	vld [tilespmem:s19+$0x4470]  }
0x10a: {  	v9 =	vld [tilespmem:s19+$0x4450]  }
0x10b: {  	v10 =	vld [tilespmem:s19+$0x4440];
	v2 =	vmul.f32 $2.550000000e+02, v2  }
0x10c: {  	v11 =	vld [tilespmem:s19+$0x4050];
	v3 =	vmul.f32 $2.550000000e+02, v3  }
0x10d: {  	v12 =	vld [tilespmem:s19+$0x4010];
	v5 =	vmul.f32 $2.550000000e+02, v5;
	v2 =	vtrunc.f32 v2  }
0x10e: {  	v13 =	vld [tilespmem:s19+$0x4000];
	v8 =	vmul.f32 $2.550000000e+02, v8;
	v3 =	vtrunc.f32 v3  }
0x10f: {  	v14 =	vld [tilespmem:s19+$0x4020];
	v9 =	vmul.f32 $2.550000000e+02, v9;
	v5 =	vtrunc.f32 v5  }
0x110: {  	v15 =	vld [tilespmem:s19+$0x4040];
	v10 =	vmul.f32 $2.550000000e+02, v10;
	v8 =	vtrunc.f32 v8  }
0x111: {  	v17 =	vmul.f32 $2.550000000e+02, v4;
	v16 =	vld [tilespmem:s19+$0x4070];
	v4 =	vcvt.f32.s32 v8  }
0x112: {  	v7 =	vmul.f32 $2.550000000e+02, v7;
	v11 =	vmul.f32 $2.550000000e+02, v11;
	v8 =	vld [tilespmem:s19+$0x4060]  }
0x113: {  	v19 =	vmul.f32 $2.550000000e+02, v6;
	v6 =	vtrunc.f32 v9;
	v18 =	vld [tilespmem:s19+$0x4460]  }
0x114: {  	v6 =	vcvt.f32.s32 v6;
	v9 =	vld [tilespmem:s19+$0x4090];
	v14 =	vmul.f32 $2.550000000e+02, v14  }
0x115: {  	v19 =	vtrunc.f32 v19;
	v12 =	vmul.f32 $2.550000000e+02, v12;
	v20 =	vld [tilespmem:s19+$0x4080]  }
0x116: {  	v13 =	vmul.f32 $2.550000000e+02, v13;
	v21 =	vld [tilespmem:s19+$0x40C0];
	v14 =	vtrunc.f32 v14  }
0x117: {  	v11 =	vtrunc.f32 v11;
	v22 =	vld [tilespmem:s19+$0x4430];
	v14 =	vcvt.f32.s32 v14  }
0x118: {  	v19 =	vcvt.f32.s32 v19;
	v12 =	vtrunc.f32 v12;
	v23 =	vld [tilespmem:s19+$0x44A0]  }
0x119: {  	v10 =	vtrunc.f32 v10;
	v16 =	vmul.f32 $2.550000000e+02, v16;
	v24 =	vld [tilespmem:s19+$0x4420]  }
0x11a: {  	v12 =	vcvt.f32.s32 v12;
	v25 =	vld [tilespmem:s19+$0x4490];
	v20 =	vmul.f32 $2.550000000e+02, v20  }
0x11b: {  	v10 =	vcvt.f32.s32 v10;
	v16 =	vtrunc.f32 v16;
	v26 =	vld [tilespmem:s19+$0x4480]  }
0x11c: {  	v13 =	vtrunc.f32 v13;
	v16 =	vcvt.f32.s32 v16;
	v27 =	vld [tilespmem:s19+$0x40F0]  }
0x11d: {  	v7 =	vtrunc.f32 v7;
	v11 =	vcvt.f32.s32 v11;
	v28 =	vld [tilespmem:s19+$0x44C0]  }
0x11e: {  	v17 =	vtrunc.f32 v17;
	v15 =	vmul.f32 $2.550000000e+02, v15;
	v29 =	vld [tilespmem:s19+$0x44B0]  }
0x11f: {  	v7 =	vcvt.f32.s32 v7;
	v17 =	vcvt.f32.s32 v17;
	v30 =	vld [tilespmem:s19+$0x44D0]  }
0x120: {  	v18 =	vmul.f32 $2.550000000e+02, v18;
	v21 =	vmul.f32 $2.550000000e+02, v21;
	v31 =	vld [tilespmem:s19+$0x44F0]  }
0x121: {  	v9 =	vmul.f32 $2.550000000e+02, v9;
	v32 =	vld [tilespmem:s19+$0x44E0];
	v27 =	vmul.f32 $2.550000000e+02, v27  }
0x122: {  	v13 =	vcvt.f32.s32 v13;
	v18 =	vtrunc.f32 v18  }
0x123: {  	v15 =	vtrunc.f32 v15;
	v18 =	vcvt.f32.s32 v18  }
0x124: {  	v15 =	vcvt.f32.s32 v15;
	v20 =	vtrunc.f32 v20  }
0x125: {  	v8 =	vmul.f32 $2.550000000e+02, v8;
	v20 =	vcvt.f32.s32 v20  }
0x126: {  	v22 =	vmul.f32 $2.550000000e+02, v22;
	v26 =	vmul.f32 $2.550000000e+02, v26;
	v33 =	vld [tilespmem:s19+$0x40E0]  }
0x127: {  	v8 =	vtrunc.f32 v8;
	v9 =	vtrunc.f32 v9  }
0x128: {  	v8 =	vcvt.f32.s32 v8;
	v9 =	vcvt.f32.s32 v9;
	[tilespmem:v13+s11+$0x0] =	vst.idx.add.f32.msk $0xffff, v1  }
0x129: {  	v13 =	vmul.f32 $2.550000000e+02, v24;
	v24 =	vmul.f32 $2.550000000e+02, v29;
	[tilespmem:v12+s11+$0x0] =	vst.idx.add.f32.msk $0xffff, v1  }
0x12a: {  	v12 =	vtrunc.f32 v22;
	v22 =	vmul.f32 $2.550000000e+02, v32;
	[tilespmem:v14+s11+$0x0] =	vst.idx.add.f32.msk $0xffff, v1  }
0x12b: {  	v13 =	vtrunc.f32 v13;
	v14 =	vtrunc.f32 v24;
	[tilespmem:v19+s11+$0x0] =	vst.idx.add.f32.msk $0xffff, v1  }
0x12c: {  	v12 =	vcvt.f32.s32 v12;
	v19 =	vtrunc.f32 v22;
	[tilespmem:v15+s11+$0x0] =	vst.idx.add.f32.msk $0xffff, v1  }
0x12d: {  	v13 =	vcvt.f32.s32 v13;
	v15 =	vtrunc.f32 v27;
	[tilespmem:v11+s11+$0x0] =	vst.idx.add.f32.msk $0xffff, v1  }
0x12e: {  	v11 =	vcvt.f32.s32 v15;
	v15 =	vmul.f32 $2.550000000e+02, v28;
	[tilespmem:v8+s11+$0x0] =	vst.idx.add.f32.msk $0xffff, v1  }
0x12f: {  	v22 =	vmul.f32 $2.550000000e+02, v31;
	v8 =	vtrunc.f32 v26;
	[tilespmem:v16+s11+$0x0] =	vst.idx.add.f32.msk $0xffff, v1  }
0x130: {  	v16 =	vtrunc.f32 v21;
	v15 =	vtrunc.f32 v15;
	[tilespmem:v7+s11+$0x0] =	vst.idx.add.f32.msk $0xffff, v1  }
0x131: {  	v7 =	vcvt.f32.s32 v16;
	v16 =	vtrunc.f32 v22;
	[tilespmem:v17+s11+$0x0] =	vst.idx.add.f32.msk $0xffff, v1  }
0x132: {  	v21 =	vmul.f32 $2.550000000e+02, v23;
	v17 =	vmul.f32 $2.550000000e+02, v33  }
0x133: {  	v22 =	vmul.f32 $2.550000000e+02, v25;
	[tilespmem:v13+s11+$0x0] =	vst.idx.add.f32.msk $0xffff, v1  }
0x134: {  	v13 =	vtrunc.f32 v17;
	v17 =	vtrunc.f32 v21;
	[tilespmem:v12+s11+$0x0] =	vst.idx.add.f32.msk $0xffff, v1  }
0x135: {  	v5 =	vcvt.f32.s32 v5;
	v12 =	vtrunc.f32 v22;
	[tilespmem:v10+s11+$0x0] =	vst.idx.add.f32.msk $0xffff, v1  }
0x136: {  	v10 =	vcvt.f32.s32 v3;
	v12 =	vcvt.f32.s32 v12;
	[tilespmem:v6+s11+$0x0] =	vst.idx.add.f32.msk $0xffff, v1  }
0x137: {  	v6 =	vcvt.f32.s32 v2;
	v2 =	vmul.f32 $2.550000000e+02, v30;
	[tilespmem:v18+s11+$0x0] =	vst.idx.add.f32.msk $0xffff, v1  }
0x138: {  	v14 =	vcvt.f32.s32 v14;
	v13 =	vcvt.f32.s32 v13;
	[tilespmem:v4+s11+$0x0] =	vst.idx.add.f32.msk $0xffff, v1  }
0x139: {  	v15 =	vcvt.f32.s32 v15;
	v2 =	vtrunc.f32 v2;
	[tilespmem:v20+s11+$0x0] =	vst.idx.add.f32.msk $0xffff, v1  }
0x13a: {  	v8 =	vcvt.f32.s32 v8;
	v4 =	vcvt.f32.s32 v2;
	[tilespmem:v9+s11+$0x0] =	vst.idx.add.f32.msk $0xffff, v1  }
0x13b: {  	v2 =	vcvt.f32.s32 v19;
	[tilespmem:v5+s11+$0x0] =	vst.idx.add.f32.msk $0xffff, v1  }
0x13c: {  	v3 =	vcvt.f32.s32 v16;
	v5 =	vcvt.f32.s32 v17;
	[tilespmem:v10+s11+$0x0] =	vst.idx.add.f32.msk $0xffff, v1  }
0x13d: {  	[tilespmem:v7+s11+$0x0] =	vst.idx.add.f32.msk $0xffff, v1  }
0x13e: {  	[tilespmem:v6+s11+$0x0] =	vst.idx.add.f32.msk $0xffff, v1  }
0x13f: {  	[tilespmem:v13+s11+$0x0] =	vst.idx.add.f32.msk $0xffff, v1  }
0x140: {  	[tilespmem:v11+s11+$0x0] =	vst.idx.add.f32.msk $0xffff, v1  }
.Ltmp1:
0x141: {  	[tilespmem:v8+s11+$0x0] =	vst.idx.add.f32.msk $0xffff, v1;
	(pc) =	sbr.rel @p0 .LBB2_5-.Ltmp1, $4  }
0x142: {  	[tilespmem:v12+s11+$0x0] =	vst.idx.add.f32.msk $0xffff, v1  }
0x143: {  	[tilespmem:v5+s11+$0x0] =	vst.idx.add.f32.msk $0xffff, v1  }
0x144: {  	[tilespmem:v14+s11+$0x0] =	vst.idx.add.f32.msk $0xffff, v1  }
0x145: {  	s17 =	sadd.s32 $0x200, s17;
	s20 =	smov.u32 s18;
	[tilespmem:v15+s11+$0x0] =	vst.idx.add.f32.msk $0xffff, v1  }
0x146: {  	_ =	sdelay $0x3  }
0x147: {  	p0 =	seq.s32 s16, $0x0;
	[tilespmem:v4+s11+$0x0] =	vst.idx.add.f32.msk $0xffff, v1  }
0x148: {  	s15 =	sshll.u32 @!p0 s15, $0x4;
	[tilespmem:v2+s11+$0x0] =	vst.idx.add.f32.msk $0xffff, v1;
	s16 =	simm.s32 @!p0 $0x80  }
0x149: {  	s17 =	simm.s32 @!p0 $0x400;
	s18 =	simm.s32 @!p0 $0x8000;
	s15 =	sadd.s32 @!p0 s15, s7;
	[tilespmem:v3+s11+$0x0] =	vst.idx.add.f32.msk $0xffff, v1  }
0x14a: {  	[hbm4b:s15+s16] =	stream.strided.scatter @!p0 [tilespmem:s18], [sflag:$0x3], $0x100, s17, s16, $0x38;
	[tilespmem:$0x8100] =	vst v63  }
0x14b: {  	s15 =	simm.s32 @!p0 $0x3  }
0x14c: {  	_ =	swait.ge @!p0 [sflag:s15], $0x100  }
0x14d: {  	[sflag:s15] =	ssyncset.done @!p0 $0x0  }
0x14e: {  	v2 =	vimm.f32 @!p0 $0.0e+00;
	[sflag:s15] =	ssyncadd.s32 @!p0 $0xFFFFFF00  }
0x14f: {  	[tilespmem:$0x8000] =	vst @!p0 v2  }
0x150: {  	[tilespmem:$0x8010] =	vst @!p0 v2  }
0x151: {  	[tilespmem:$0x8020] =	vst @!p0 v2  }
0x152: {  	[tilespmem:$0x8030] =	vst @!p0 v2  }
0x153: {  	[tilespmem:$0x8040] =	vst @!p0 v2  }
0x154: {  	[tilespmem:$0x8050] =	vst @!p0 v2  }
0x155: {  	[tilespmem:$0x8060] =	vst @!p0 v2  }
0x156: {  	[tilespmem:$0x8070] =	vst @!p0 v2  }
0x157: {  	[tilespmem:$0x8080] =	vst @!p0 v2  }
0x158: {  	s14 =	sadd.s32 $0x1, s14;
	[tilespmem:$0x8090] =	vst @!p0 v2  }
0x159: {  	p1 =	sne.s32 s14, $0x10;
	[tilespmem:$0x80A0] =	vst @!p0 v2  }
.Ltmp2:
0x15a: {  	[tilespmem:$0x80B0] =	vst @!p0 v2;
	(pc) =	sbr.rel @p1 .LBB2_2-.Ltmp2, $4  }
0x15b: {  	[tilespmem:$0x80C0] =	vst @!p0 v2  }
0x15c: {  	[tilespmem:$0x80D0] =	vst @!p0 v2  }
0x15d: {  	[tilespmem:$0x80E0] =	vst @!p0 v2  }
0x15e: {  	[tilespmem:$0x80F0] =	vst @!p0 v2  }
0x15f: {  	s13 =	sadd.s32 $0x1, s13  }
0x160: {  	p0 =	sne.s32 s13, s8  }
.Ltmp3:
0x161: {  	_ = 	snop;
	(pc) =	sbr.rel @p0 .LBB2_1-.Ltmp3, $1  }
0x162: {  	_ =	sdelay $0x3  }
0x163: {  	_ =	sfence.sel $0x180000  }
0x164: {  	[bflag:$0x0] =	sbarrier.arrive $0xFFFF  }
0x165: {  	p0 =	sne.s32 s2, $0x0;
	_ =	strace $0x90000047  }
0x166: {  	s0 =	sadd.s32 @!p0 $0x100000, s0;
	[bflag:$0x2] =	sbarrier.arrive $0xFFFF  }
0x167: {  	[sflag:s0] =	ssyncadd.tile.s32 @!p0 $0x1;
	_ =	shalt  }
.Lfunc_end2:
_tile_overlayer_lowered:
.L_overlay_start_2:
0x168: {  	(tag) =	ssettag $0x2  }
0x169: {  	s0 =	rddreg [dreg:$0x0];
	s2 =	stileid.u32  }
0x16a: {  	s1 =	rddreg [dreg:$0x1];
	p0 =	sne.s32 s2, $0x0  }
0x16b: {  	s3 =	rddreg [dreg:$0x2];
	[bflag:$0x3] =	sbarrier.arrive $0xFFFF;
	s2 =	simm.s32 @!p0 $0x1C03  }
0x16c: {  	[timem:s3], [sflag:s2] =	dma.local @!p0 [hbm:s0], s1  }
0x16d: {  	s0 =	simm.s32 @!p0 $0x3  }
0x16e: {  	_ =	swait.ge @!p0 [sflag:s0], s1  }
0x16f: {  	s1 =	ssub.s32 @!p0 $0x0, s1;
	[sflag:s0] =	ssyncset.done @!p0 $0x0  }
0x170: {  	[sflag:s0] =	ssyncadd.s32 @!p0 s1  }
0x171: {  	[bflag:$0x3] =	sbarrier.arrive $0xFFFF  }
0x172: {  	_ =	shalt  }

</sc_bundles>
